<compile_context>
chip_gen: v7x
topology: tpu7x:2x2x1
jax: 0.10.2.dev20260603
libtpu: 0.0.44.dev20260713+nightly
codegen_flags: <defaults>
</compile_context>

<pallas_src>
import functools
import math

import jax
import jax.numpy as jnp
from jax import lax
from jax.experimental import pallas as pl
from jax.experimental.pallas import tpu as pltpu
from jax.experimental.pallas import tpu_sc as plsc

N = 262144
D = 16
DO = 8
SIGMA = 0.5
TAU = 1.0
PACK = 8
RP = N // PACK

_ROWS = 2048
_GRID = RP // _ROWS

_AR = 256
_AGRID = (N // 128) // _AR

_NW = 32
_BW = N // _NW
_HPAD = N + 256
_HSLC = _HPAD // 16
_GSUB = 4096

_HALF_LOG_2PI = 0.5 * math.log(2.0 * math.pi)



def _fcount_body(u0_ref, cum_ref, w_ref, f_ref, ess_ref, flag_ref, acc_ref):
    i = pl.program_id(0)

    @pl.when(i == 0)
    def _():
        acc_ref[0, 0] = 0.0

    u0 = u0_ref[0, 0]
    cum = cum_ref[...]
    t = cum * jnp.float32(N)
    i0 = jnp.floor(t - u0)
    cnt = i0 - 1.0
    for dc in (-1.0, 0.0, 1.0):
        cnt = cnt + jnp.where((i0 + jnp.float32(dc)) + u0 <= t, 1.0, 0.0)
    f_ref[...] = jnp.clip(cnt, 0.0, jnp.float32(N)).astype(jnp.int32)

    w = w_ref[...]
    acc_ref[0, 0] += jnp.sum(w * w)

    @pl.when(i == _AGRID - 1)
    def _():
        ess = 1.0 / acc_ref[0, 0]
        ess_ref[...] = jnp.full((1, 1), ess, jnp.float32)
        flag_ref[...] = jnp.where(ess < jnp.float32(0.5 * N),
                                  jnp.full((1, 1), 1, jnp.int32),
                                  jnp.full((1, 1), 0, jnp.int32))



_sc_mesh = plsc.VectorSubcoreMesh(core_axis_name="c", subcore_axis_name="s")


@functools.partial(
    pl.kernel, mesh=_sc_mesh,
    out_type=jax.ShapeDtypeStruct((2, N), jnp.int32),
    scratch_types=[
        pltpu.VMEM((_BW,), jnp.int32),
        pltpu.VMEM((_BW,), jnp.int32),
        pltpu.VMEM((_HSLC,), jnp.int32),
        pltpu.VMEM_SHARED((_HPAD,), jnp.int32),
    ],
)
def _hist_sc(f_hbm, zeros_hbm, ones_hbm, h_hbm, f_v, ones_v, vbuf, h_sh):
    cid = lax.axis_index("c")
    sid = lax.axis_index("s")
    wid = sid * 2 + cid
    pltpu.sync_copy(zeros_hbm.at[pl.ds(sid * _HSLC, _HSLC)], vbuf)
    pltpu.sync_copy(vbuf, h_sh.at[pl.ds(sid * _HSLC, _HSLC)])
    plsc.subcore_barrier()
    pltpu.sync_copy(f_hbm.at[pl.ds(wid * _BW, _BW)], f_v)
    pltpu.sync_copy(ones_hbm, ones_v)
    pltpu.sync_copy(ones_v, h_sh.at[f_v], add=True)
    plsc.subcore_barrier()
    pltpu.sync_copy(h_sh.at[pl.ds(sid * (N // 16), N // 16)],
                    vbuf.at[pl.ds(0, N // 16)])
    pltpu.sync_copy(vbuf.at[pl.ds(0, N // 16)],
                    h_hbm.at[cid, pl.ds(sid * (N // 16), N // 16)])



def _scan_body(flag_ref, h_ref, u128_ref, l256_ref, anc_ref, car_ref):
    i = pl.program_id(0)

    @pl.when(i == 0)
    def _():
        car_ref[0, 0] = 0.0

    x = (h_ref[0] + h_ref[1]).astype(jnp.float32)
    lane_pref = jax.lax.dot(x, u128_ref[...],
                            precision=jax.lax.Precision.HIGHEST)
    row_tot = jnp.broadcast_to(lane_pref[:, 127:128], (_AR, 128))
    row_off = jax.lax.dot(l256_ref[...], row_tot,
                          precision=jax.lax.Precision.HIGHEST)
    idxf = lane_pref + row_off + car_ref[0, 0]
    car_ref[0, 0] += jnp.sum(x)
    idx = jnp.clip(idxf, 0.0, jnp.float32(N - 1)).astype(jnp.int32)
    glob = (lax.broadcasted_iota(jnp.int32, (_AR, 128), 0) * 128
            + lax.broadcasted_iota(jnp.int32, (_AR, 128), 1)
            + i * (_AR * 128))
    anc_ref[...] = jnp.where(flag_ref[0, 0] > 0, idx, glob)



@functools.partial(
    pl.kernel, mesh=_sc_mesh,
    out_type=jax.ShapeDtypeStruct((N, D), jnp.float32),
    compiler_params=pltpu.CompilerParams(use_tc_tiling_on_sc=False),
    scratch_types=[
        pltpu.VMEM((_GSUB,), jnp.int32),
        pltpu.VMEM((_GSUB, D), jnp.float32),
        pltpu.SemaphoreType.DMA,
    ],
)
def _gather_sc(table_hbm, idx_hbm, out_hbm, idx_v, rows_v, sem):
    cid = lax.axis_index("c")
    sid = lax.axis_index("s")
    wid = sid * 2 + cid
    for g in range(_BW // _GSUB):
        base = wid * _BW + g * _GSUB
        pltpu.sync_copy(idx_hbm.at[pl.ds(base, _GSUB)], idx_v)
        pltpu.async_copy(table_hbm.at[idx_v], rows_v, sem).wait()
        pltpu.sync_copy(rows_v, out_hbm.at[pl.ds(base, _GSUB)])



def _dense_body(flag_ref, rs_ref, eps_ref, lw_ref, abd_ref, cbd_ref,
                m16_ref, m8_ref, obs_ref, nxt_ref, newlw_ref, inc_ref):
    flag = flag_ref[0, 0] > 0
    pr = rs_ref[...]
    mean = jax.lax.dot(pr, abd_ref[...],
                       precision=jax.lax.Precision.HIGHEST)
    nxt = mean + jnp.float32(SIGMA) * eps_ref[...]
    nxt_ref[...] = nxt
    z = (nxt - mean) / jnp.float32(SIGMA)
    tz = (-0.5 * z * z - jnp.float32(math.log(SIGMA))) - jnp.float32(_HALF_LOG_2PI)
    t = jax.lax.dot(tz, m16_ref[...], precision=jax.lax.Precision.HIGHEST)
    em = jax.lax.dot(nxt, cbd_ref[...], precision=jax.lax.Precision.HIGHEST)
    ze = obs_ref[0:1, :] - em
    se = (-0.5 * ze * ze) - jnp.float32(_HALF_LOG_2PI)
    e = jax.lax.dot(se, m8_ref[...], precision=jax.lax.Precision.HIGHEST)
    inc = (t + e) - t
    inc_ref[...] = inc
    lwr = jnp.where(flag, jnp.full_like(inc, jnp.float32(-math.log(N))),
                    lw_ref[...])
    newlw_ref[...] = lwr + inc


@jax.jit
def kernel(log_w, particles, observation, A, C):
    key = jax.random.key(42)
    rk, pk = jax.random.split(key)
    u0 = jax.random.uniform(rk, (), dtype=jnp.float32)
    eps_pack = jax.random.normal(pk, (RP, PACK * D), dtype=jnp.float32)

    lw = log_w - jax.scipy.special.logsumexp(log_w)
    w = jnp.exp(lw)
    cum = jnp.cumsum(w)

    smem_scalar = pl.BlockSpec(memory_space=pltpu.SMEM)
    blk = pl.BlockSpec((_AR, 128), lambda i: (i, 0))
    one_spec = pl.BlockSpec((1, 1), lambda i: (0, 0))
    f2d, ess11, flag11 = pl.pallas_call(
        _fcount_body,
        grid=(_AGRID,),
        in_specs=[smem_scalar, blk, blk],
        out_specs=[blk, one_spec, one_spec],
        out_shape=[
            jax.ShapeDtypeStruct((N // 128, 128), jnp.int32),
            jax.ShapeDtypeStruct((1, 1), jnp.float32),
            jax.ShapeDtypeStruct((1, 1), jnp.int32),
        ],
        scratch_shapes=[pltpu.SMEM((1, 1), jnp.float32)],
    )(u0.reshape(1, 1), cum.reshape(N // 128, 128), w.reshape(N // 128, 128))

    h2 = _hist_sc(f2d.reshape(N),
                  jnp.zeros((_HPAD,), jnp.int32),
                  jnp.ones((_BW,), jnp.int32))

    u128 = jnp.triu(jnp.ones((128, 128), jnp.float32))
    l256 = jnp.tril(jnp.ones((_AR, _AR), jnp.float32), -1)
    anc2d = pl.pallas_call(
        _scan_body,
        grid=(_AGRID,),
        in_specs=[
            smem_scalar,
            pl.BlockSpec((2, _AR, 128), lambda i: (0, i, 0)),
            pl.BlockSpec((128, 128), lambda i: (0, 0)),
            pl.BlockSpec((_AR, _AR), lambda i: (0, 0)),
        ],
        out_specs=blk,
        out_shape=jax.ShapeDtypeStruct((N // 128, 128), jnp.int32),
        scratch_shapes=[pltpu.SMEM((1, 1), jnp.float32)],
    )(flag11, h2.reshape(2, N // 128, 128), u128, l256)

    resampled = _gather_sc(particles, anc2d.reshape(N))

    rs_pack = resampled.reshape(RP, PACK * D)
    lw_pack = lw.reshape(RP, PACK)

    eye8 = jnp.eye(PACK, dtype=jnp.float32)
    abd = jnp.kron(eye8, A.T)
    cbd = jnp.kron(eye8, C.T)
    m16 = jnp.kron(eye8, jnp.ones((D, 1), jnp.float32))
    m8 = jnp.kron(eye8, jnp.ones((DO, 1), jnp.float32))
    obs_t = jnp.tile(observation, (PACK,)).reshape(1, PACK * DO)
    obs_t = jnp.broadcast_to(obs_t, (8, PACK * DO))

    row_spec = pl.BlockSpec((_ROWS, PACK * D), lambda i: (i, 0))
    out8_spec = pl.BlockSpec((_ROWS, PACK), lambda i: (i, 0))
    const_spec = lambda r, c: pl.BlockSpec((r, c), lambda i: (0, 0))
    nxt_pack, newlw_pack, inc_pack = pl.pallas_call(
        _dense_body,
        grid=(_GRID,),
        in_specs=[
            smem_scalar,
            row_spec,
            row_spec,
            out8_spec,
            const_spec(PACK * D, PACK * D),
            const_spec(PACK * D, PACK * DO),
            const_spec(PACK * D, PACK),
            const_spec(PACK * DO, PACK),
            const_spec(8, PACK * DO),
        ],
        out_specs=[row_spec, out8_spec, out8_spec],
        out_shape=[
            jax.ShapeDtypeStruct((RP, PACK * D), jnp.float32),
            jax.ShapeDtypeStruct((RP, PACK), jnp.float32),
            jax.ShapeDtypeStruct((RP, PACK), jnp.float32),
        ],
    )(flag11, rs_pack, eps_pack, lw_pack, abd, cbd, m16, m8, obs_t)

    next_particles = nxt_pack.reshape(N, D)
    new_log_w = newlw_pack.reshape(N)
    inc_weight = inc_pack.reshape(N)
    ess = ess11.reshape(())
    ancestor_ix = anc2d.reshape(N)
    return (new_log_w, next_particles, ess, ancestor_ix, inc_weight)

# --- scband reference (transcript-rebuilt; emitter-appended) ---
"""Pipeline reference for scband-smcsampler-81887846465793 (READ-ONLY COPY).

The authoritative reference and input builder live on the scoring server;
editing this copy changes nothing except your own understanding.
"""

import jax, jax.numpy as jnp
import numpy as np

N = 262144
D = 16
DO = 8
SIGMA = 0.5
TAU = 1.0


def _gauss_logp(x, mean, std):
    z = (x - mean) / std
    return jnp.sum(-0.5 * z * z - jnp.log(std) - 0.5 * jnp.log(2.0 * jnp.pi), axis=-1)


def setup_inputs(seed: int = 0) -> dict:
    key = jax.random.key(seed)
    k1, k2, k3, k4, k5 = jax.random.split(key, 5)
    log_w = jax.random.normal(k1, (N,), dtype=jnp.float32)
    particles = jax.random.normal(k2, (N, D), dtype=jnp.float32)
    observation = jax.random.normal(k3, (DO,), dtype=jnp.float32)
    A = jax.random.normal(k4, (D, D), dtype=jnp.float32) / jnp.sqrt(jnp.float32(D))
    C = jax.random.normal(k5, (DO, D), dtype=jnp.float32) / jnp.sqrt(jnp.float32(D))
    return {"log_w": log_w, "particles": particles, "observation": observation, "A": A, "C": C}


def reference(log_w, particles, observation, A, C):
    # One SMC sample_step: ESS -> (conditional) systematic resample -> propose -> reweight.
    key = jax.random.key(42)
    rk, pk = jax.random.split(key)
    # normalized log-weights and ESS (compute_esse_from_log_weights)
    lw = log_w - jax.scipy.special.logsumexp(log_w)
    w = jnp.exp(lw)
    ess = 1.0 / jnp.sum(w * w)
    # systematic resampling (Resampler)
    u0 = jax.random.uniform(rk, (), dtype=jnp.float32)
    cum = jnp.cumsum(w)
    u = (jnp.arange(N, dtype=jnp.float32) + u0) / jnp.float32(N)
    idx = jnp.clip(jnp.searchsorted(cum, u), 0, N - 1)
    do_resample = ess < 0.5 * N
    resampled = jnp.take(particles, idx, axis=0)
    particles_r = jnp.where(do_resample, resampled, particles)
    log_w_r = jnp.where(do_resample, jnp.full((N,), -jnp.log(jnp.float32(N)), dtype=jnp.float32), lw)
    ancestor_ix = jnp.where(do_resample, idx, jnp.arange(N))
    # proposal sample (bootstrap: proposal == transition), vmapped over particles
    mean = particles_r @ A.T
    eps = jax.random.normal(pk, (N, D), dtype=jnp.float32)
    next_particles = mean + SIGMA * eps
    # transition / proposal / emission log-probs (vmapped Gaussian logpdfs)
    trans_lp = _gauss_logp(next_particles, mean, jnp.float32(SIGMA))
    prop_lp = _gauss_logp(next_particles, mean, jnp.float32(SIGMA))
    em_mean = next_particles @ C.T
    em_lp = _gauss_logp(observation[None, :], em_mean, jnp.float32(TAU))
    inc_weight = trans_lp + em_lp - prop_lp
    new_log_w = log_w_r + inc_weight
    return (new_log_w, next_particles, ess, ancestor_ix, inc_weight)

if __name__ == "__main__":
    import jax
    _d = setup_inputs()
    print(jax.jit(kernel)(*tuple(_d.values())))

</pallas_src>

<mosaic_0001>
#map = affine_map<(d0, d1) -> (0)>
#map1 = affine_map<(d0, d1) -> (0, 0)>
module attributes {stable_mosaic.version = 14 : i64} {
  func.func @_hist_sc(%arg0: i32, %arg1: i32, %arg2: memref<262144xi32, #tpu.memory_space<hbm>>, %arg3: memref<262400xi32, #tpu.memory_space<hbm>>, %arg4: memref<8192xi32, #tpu.memory_space<hbm>>, %arg5: memref<2x262144xi32, #tpu.memory_space<hbm>>, %arg6: memref<8192xi32, #tpu.memory_space<vmem>>, %arg7: memref<8192xi32, #tpu.memory_space<vmem>>, %arg8: memref<16400xi32, #tpu.memory_space<vmem>>, %arg9: memref<262400xi32, #tpu.memory_space<vmem_shared>>) attributes {dimension_semantics = [#tpu.dimension_semantics<core_parallel>, #tpu.dimension_semantics<subcore_parallel>], iteration_bounds = array<i64: 2, 16>, scalar_prefetch = 0 : i64, scratch_operands = 4 : i64, tpu.core_type = #tpu.core_type<sc_vector_subcore>, window_params = [{transform_indices = #map}, {transform_indices = #map}, {transform_indices = #map}, {transform_indices = #map1}]} {
    %mul3A = arith.constant 2 : i32
    %mul3A_0 = arith.muli %arg1, %mul3A : i32
    %add3A = arith.addi %mul3A_0, %arg0 : i32
    %mul3A_1 = arith.constant 16400 : i32
    %mul3A_2 = arith.muli %arg1, %mul3A_1 : i32
    "tpu.region"() ({
      %run_scoped3A = tpu.sem_alloc : memref<!tpu.dma_semaphore, #tpu.memory_space<semaphore_mem>>
      %dma_start3A = tpu.memref_slice %arg3[%mul3A_2] : memref<262400xi32, #tpu.memory_space<hbm>> -> memref<16400xi32, #tpu.memory_space<hbm>>
      %dma_start3A_12 = tpu.memref_slice %arg3[%mul3A_2] : memref<262400xi32, #tpu.memory_space<hbm>> -> memref<16400xi32, #tpu.memory_space<hbm>>
      tpu.enqueue_dma source(%dma_start3A_12 : memref<16400xi32, #tpu.memory_space<hbm>>) target(%arg8 : memref<16400xi32, #tpu.memory_space<vmem>>) target_semaphore(%run_scoped3A : memref<!tpu.dma_semaphore, #tpu.memory_space<semaphore_mem>>)
      %dma_wait3A = tpu.memref_slice %arg3[%mul3A_2] : memref<262400xi32, #tpu.memory_space<hbm>> -> memref<16400xi32, #tpu.memory_space<hbm>>
      %dma_wait3A_13 = tpu.memref_slice %arg3[%mul3A_2] : memref<262400xi32, #tpu.memory_space<hbm>> -> memref<16400xi32, #tpu.memory_space<hbm>>
      tpu.wait_dma2 semaphore(%run_scoped3A : memref<!tpu.dma_semaphore, #tpu.memory_space<semaphore_mem>>) src(%dma_wait3A_13 : memref<16400xi32, #tpu.memory_space<hbm>>) dst(%arg8 : memref<16400xi32, #tpu.memory_space<vmem>>)
      tpu.yield
    }) : () -> ()
    %mul3A_3 = arith.constant 16400 : i32
    %mul3A_4 = arith.muli %arg1, %mul3A_3 : i32
    "tpu.region"() ({
      %run_scoped3A = tpu.sem_alloc : memref<!tpu.dma_semaphore, #tpu.memory_space<semaphore_mem>>
      %dma_start3A = tpu.memref_slice %arg9[%mul3A_4] : memref<262400xi32, #tpu.memory_space<vmem_shared>> -> memref<16400xi32, #tpu.memory_space<vmem_shared>>
      %dma_start3A_12 = tpu.memref_slice %arg9[%mul3A_4] : memref<262400xi32, #tpu.memory_space<vmem_shared>> -> memref<16400xi32, #tpu.memory_space<vmem_shared>>
      tpu.enqueue_dma source(%arg8 : memref<16400xi32, #tpu.memory_space<vmem>>) target(%dma_start3A_12 : memref<16400xi32, #tpu.memory_space<vmem_shared>>) target_semaphore(%run_scoped3A : memref<!tpu.dma_semaphore, #tpu.memory_space<semaphore_mem>>)
      %dma_wait3A = tpu.memref_slice %arg9[%mul3A_4] : memref<262400xi32, #tpu.memory_space<vmem_shared>> -> memref<16400xi32, #tpu.memory_space<vmem_shared>>
      %dma_wait3A_13 = tpu.memref_slice %arg9[%mul3A_4] : memref<262400xi32, #tpu.memory_space<vmem_shared>> -> memref<16400xi32, #tpu.memory_space<vmem_shared>>
      tpu.wait_dma2 semaphore(%run_scoped3A : memref<!tpu.dma_semaphore, #tpu.memory_space<semaphore_mem>>) src(%arg8 : memref<16400xi32, #tpu.memory_space<vmem>>) dst(%dma_wait3A_13 : memref<16400xi32, #tpu.memory_space<vmem_shared>>)
      tpu.yield
    }) : () -> ()
    %barrier3A = arith.constant 0 : index
    tpu.barrier barrier_id(%barrier3A)
    %mul3A_5 = arith.constant 8192 : i32
    %mul3A_6 = arith.muli %add3A, %mul3A_5 : i32
    "tpu.region"() ({
      %run_scoped3A = tpu.sem_alloc : memref<!tpu.dma_semaphore, #tpu.memory_space<semaphore_mem>>
      %dma_start3A = tpu.memref_slice %arg2[%mul3A_6] : memref<262144xi32, #tpu.memory_space<hbm>> -> memref<8192xi32, #tpu.memory_space<hbm>>
      %dma_start3A_12 = tpu.memref_slice %arg2[%mul3A_6] : memref<262144xi32, #tpu.memory_space<hbm>> -> memref<8192xi32, #tpu.memory_space<hbm>>
      tpu.enqueue_dma source(%dma_start3A_12 : memref<8192xi32, #tpu.memory_space<hbm>>) target(%arg6 : memref<8192xi32, #tpu.memory_space<vmem>>) target_semaphore(%run_scoped3A : memref<!tpu.dma_semaphore, #tpu.memory_space<semaphore_mem>>)
      %dma_wait3A = tpu.memref_slice %arg2[%mul3A_6] : memref<262144xi32, #tpu.memory_space<hbm>> -> memref<8192xi32, #tpu.memory_space<hbm>>
      %dma_wait3A_13 = tpu.memref_slice %arg2[%mul3A_6] : memref<262144xi32, #tpu.memory_space<hbm>> -> memref<8192xi32, #tpu.memory_space<hbm>>
      tpu.wait_dma2 semaphore(%run_scoped3A : memref<!tpu.dma_semaphore, #tpu.memory_space<semaphore_mem>>) src(%dma_wait3A_13 : memref<8192xi32, #tpu.memory_space<hbm>>) dst(%arg6 : memref<8192xi32, #tpu.memory_space<vmem>>)
      tpu.yield
    }) : () -> ()
    "tpu.region"() ({
      %run_scoped3A = tpu.sem_alloc : memref<!tpu.dma_semaphore, #tpu.memory_space<semaphore_mem>>
      tpu.enqueue_dma source(%arg4 : memref<8192xi32, #tpu.memory_space<hbm>>) target(%arg7 : memref<8192xi32, #tpu.memory_space<vmem>>) target_semaphore(%run_scoped3A : memref<!tpu.dma_semaphore, #tpu.memory_space<semaphore_mem>>)
      tpu.wait_dma2 semaphore(%run_scoped3A : memref<!tpu.dma_semaphore, #tpu.memory_space<semaphore_mem>>) src(%arg4 : memref<8192xi32, #tpu.memory_space<hbm>>) dst(%arg7 : memref<8192xi32, #tpu.memory_space<vmem>>)
      tpu.yield
    }) : () -> ()
    "tpu.region"() ({
      %run_scoped3A = tpu.sem_alloc : memref<!tpu.dma_semaphore, #tpu.memory_space<semaphore_mem>>
      %dma_start3A = arith.constant 0 : i32
      %dma_start3A_12 = tpu.memref_slice %arg9[%dma_start3A] : memref<262400xi32, #tpu.memory_space<vmem_shared>> -> memref<262400xi32, #tpu.memory_space<vmem_shared>>
      tpu.enqueue_indirect_dma source(%arg7 : memref<8192xi32, #tpu.memory_space<vmem>>) target(%dma_start3A_12 : memref<262400xi32, #tpu.memory_space<vmem_shared>>) offsets(%arg6 : memref<8192xi32, #tpu.memory_space<vmem>>) semaphore(%run_scoped3A : memref<!tpu.dma_semaphore, #tpu.memory_space<semaphore_mem>>) {add = true}
      %dma_wait3A = arith.constant 0 : i32
      %dma_wait3A_13 = tpu.memref_slice %arg9[%dma_wait3A] : memref<262400xi32, #tpu.memory_space<vmem_shared>> -> memref<262400xi32, #tpu.memory_space<vmem_shared>>
      tpu.wait_indirect_dma semaphore(%run_scoped3A : memref<!tpu.dma_semaphore, #tpu.memory_space<semaphore_mem>>) src(%arg7 : memref<8192xi32, #tpu.memory_space<vmem>>) dst(%dma_wait3A_13 : memref<262400xi32, #tpu.memory_space<vmem_shared>>)
      tpu.yield
    }) : () -> ()
    %barrier3A_7 = arith.constant 0 : index
    tpu.barrier barrier_id(%barrier3A_7)
    %mul3A_8 = arith.constant 16384 : i32
    %mul3A_9 = arith.muli %arg1, %mul3A_8 : i32
    "tpu.region"() ({
      %run_scoped3A = tpu.sem_alloc : memref<!tpu.dma_semaphore, #tpu.memory_space<semaphore_mem>>
      %dma_start3A = arith.constant 0 : i32
      %dma_start3A_12 = tpu.memref_slice %arg8[%dma_start3A] : memref<16400xi32, #tpu.memory_space<vmem>> -> memref<16384xi32, #tpu.memory_space<vmem>>
      %dma_start3A_13 = tpu.memref_slice %arg9[%mul3A_9] : memref<262400xi32, #tpu.memory_space<vmem_shared>> -> memref<16384xi32, #tpu.memory_space<vmem_shared>>
      %dma_start3A_14 = arith.constant 0 : i32
      %dma_start3A_15 = tpu.memref_slice %arg8[%dma_start3A_14] : memref<16400xi32, #tpu.memory_space<vmem>> -> memref<16384xi32, #tpu.memory_space<vmem>>
      %dma_start3A_16 = tpu.memref_slice %arg9[%mul3A_9] : memref<262400xi32, #tpu.memory_space<vmem_shared>> -> memref<16384xi32, #tpu.memory_space<vmem_shared>>
      tpu.enqueue_dma source(%dma_start3A_16 : memref<16384xi32, #tpu.memory_space<vmem_shared>>) target(%dma_start3A_15 : memref<16384xi32, #tpu.memory_space<vmem>>) target_semaphore(%run_scoped3A : memref<!tpu.dma_semaphore, #tpu.memory_space<semaphore_mem>>)
      %dma_wait3A = arith.constant 0 : i32
      %dma_wait3A_17 = tpu.memref_slice %arg8[%dma_wait3A] : memref<16400xi32, #tpu.memory_space<vmem>> -> memref<16384xi32, #tpu.memory_space<vmem>>
      %dma_wait3A_18 = tpu.memref_slice %arg9[%mul3A_9] : memref<262400xi32, #tpu.memory_space<vmem_shared>> -> memref<16384xi32, #tpu.memory_space<vmem_shared>>
      %dma_wait3A_19 = arith.constant 0 : i32
      %dma_wait3A_20 = tpu.memref_slice %arg8[%dma_wait3A_19] : memref<16400xi32, #tpu.memory_space<vmem>> -> memref<16384xi32, #tpu.memory_space<vmem>>
      %dma_wait3A_21 = tpu.memref_slice %arg9[%mul3A_9] : memref<262400xi32, #tpu.memory_space<vmem_shared>> -> memref<16384xi32, #tpu.memory_space<vmem_shared>>
      tpu.wait_dma2 semaphore(%run_scoped3A : memref<!tpu.dma_semaphore, #tpu.memory_space<semaphore_mem>>) src(%dma_wait3A_21 : memref<16384xi32, #tpu.memory_space<vmem_shared>>) dst(%dma_wait3A_20 : memref<16384xi32, #tpu.memory_space<vmem>>)
      tpu.yield
    }) : () -> ()
    %mul3A_10 = arith.constant 16384 : i32
    %mul3A_11 = arith.muli %arg1, %mul3A_10 : i32
    "tpu.region"() ({
      %run_scoped3A = tpu.sem_alloc : memref<!tpu.dma_semaphore, #tpu.memory_space<semaphore_mem>>
      %dma_start3A = arith.constant 0 : i32
      %dma_start3A_12 = tpu.memref_slice %arg8[%dma_start3A] : memref<16400xi32, #tpu.memory_space<vmem>> -> memref<16384xi32, #tpu.memory_space<vmem>>
      %dma_start3A_13 = tpu.memref_slice %arg5[%arg0, %mul3A_11] : memref<2x262144xi32, #tpu.memory_space<hbm>> -> memref<1x16384xi32, #tpu.memory_space<hbm>>
      %dma_start3A_14 = tpu.memref_squeeze %dma_start3A_13 : memref<1x16384xi32, #tpu.memory_space<hbm>> -> memref<16384xi32, #tpu.memory_space<hbm>>
      %dma_start3A_15 = tpu.memref_slice %arg5[%arg0, %mul3A_11] : memref<2x262144xi32, #tpu.memory_space<hbm>> -> memref<1x16384xi32, #tpu.memory_space<hbm>>
      %dma_start3A_16 = tpu.memref_squeeze %dma_start3A_15 : memref<1x16384xi32, #tpu.memory_space<hbm>> -> memref<16384xi32, #tpu.memory_space<hbm>>
      %dma_start3A_17 = arith.constant 0 : i32
      %dma_start3A_18 = tpu.memref_slice %arg8[%dma_start3A_17] : memref<16400xi32, #tpu.memory_space<vmem>> -> memref<16384xi32, #tpu.memory_space<vmem>>
      tpu.enqueue_dma source(%dma_start3A_18 : memref<16384xi32, #tpu.memory_space<vmem>>) target(%dma_start3A_16 : memref<16384xi32, #tpu.memory_space<hbm>>) target_semaphore(%run_scoped3A : memref<!tpu.dma_semaphore, #tpu.memory_space<semaphore_mem>>)
      %dma_wait3A = arith.constant 0 : i32
      %dma_wait3A_19 = tpu.memref_slice %arg8[%dma_wait3A] : memref<16400xi32, #tpu.memory_space<vmem>> -> memref<16384xi32, #tpu.memory_space<vmem>>
      %dma_wait3A_20 = tpu.memref_slice %arg5[%arg0, %mul3A_11] : memref<2x262144xi32, #tpu.memory_space<hbm>> -> memref<1x16384xi32, #tpu.memory_space<hbm>>
      %dma_wait3A_21 = tpu.memref_squeeze %dma_wait3A_20 : memref<1x16384xi32, #tpu.memory_space<hbm>> -> memref<16384xi32, #tpu.memory_space<hbm>>
      %dma_wait3A_22 = tpu.memref_slice %arg5[%arg0, %mul3A_11] : memref<2x262144xi32, #tpu.memory_space<hbm>> -> memref<1x16384xi32, #tpu.memory_space<hbm>>
      %dma_wait3A_23 = tpu.memref_squeeze %dma_wait3A_22 : memref<1x16384xi32, #tpu.memory_space<hbm>> -> memref<16384xi32, #tpu.memory_space<hbm>>
      %dma_wait3A_24 = arith.constant 0 : i32
      %dma_wait3A_25 = tpu.memref_slice %arg8[%dma_wait3A_24] : memref<16400xi32, #tpu.memory_space<vmem>> -> memref<16384xi32, #tpu.memory_space<vmem>>
      tpu.wait_dma2 semaphore(%run_scoped3A : memref<!tpu.dma_semaphore, #tpu.memory_space<semaphore_mem>>) src(%dma_wait3A_25 : memref<16384xi32, #tpu.memory_space<vmem>>) dst(%dma_wait3A_23 : memref<16384xi32, #tpu.memory_space<hbm>>)
      tpu.yield
    }) : () -> ()
    return
  }
}

#map = affine_map<(d0, d1) -> (0, 0)>
#map1 = affine_map<(d0, d1) -> (0)>
module attributes {stable_mosaic.version = 14 : i64} {
  func.func @_gather_sc(%arg0: i32, %arg1: i32, %arg2: memref<262144x16xf32, #tpu.memory_space<hbm>>, %arg3: memref<262144xi32, #tpu.memory_space<hbm>>, %arg4: memref<262144x16xf32, #tpu.memory_space<hbm>>, %arg5: memref<4096xi32, #tpu.memory_space<vmem>>, %arg6: memref<4096x16xf32, #tpu.memory_space<vmem>>, %arg7: memref<!tpu.dma_semaphore, #tpu.memory_space<semaphore_mem>>) attributes {dimension_semantics = [#tpu.dimension_semantics<core_parallel>, #tpu.dimension_semantics<subcore_parallel>], iteration_bounds = array<i64: 2, 16>, scalar_prefetch = 0 : i64, scratch_operands = 3 : i64, tpu.core_type = #tpu.core_type<sc_vector_subcore>, window_params = [{transform_indices = #map}, {transform_indices = #map1}, {transform_indices = #map}]} {
    %mul3A = arith.constant 2 : i32
    %mul3A_0 = arith.muli %arg1, %mul3A : i32
    %add3A = arith.addi %mul3A_0, %arg0 : i32
    %mul3A_1 = arith.constant 8192 : i32
    %mul3A_2 = arith.muli %add3A, %mul3A_1 : i32
    %add3A_3 = arith.constant 0 : i32
    %add3A_4 = arith.addi %mul3A_2, %add3A_3 : i32
    "tpu.region"() ({
      %run_scoped3A = tpu.sem_alloc : memref<!tpu.dma_semaphore, #tpu.memory_space<semaphore_mem>>
      %dma_start3A_19 = tpu.memref_slice %arg3[%add3A_4] : memref<262144xi32, #tpu.memory_space<hbm>> -> memref<4096xi32, #tpu.memory_space<hbm>>
      %dma_start3A_20 = tpu.memref_slice %arg3[%add3A_4] : memref<262144xi32, #tpu.memory_space<hbm>> -> memref<4096xi32, #tpu.memory_space<hbm>>
      tpu.enqueue_dma source(%dma_start3A_20 : memref<4096xi32, #tpu.memory_space<hbm>>) target(%arg5 : memref<4096xi32, #tpu.memory_space<vmem>>) target_semaphore(%run_scoped3A : memref<!tpu.dma_semaphore, #tpu.memory_space<semaphore_mem>>)
      %dma_wait3A_21 = tpu.memref_slice %arg3[%add3A_4] : memref<262144xi32, #tpu.memory_space<hbm>> -> memref<4096xi32, #tpu.memory_space<hbm>>
      %dma_wait3A_22 = tpu.memref_slice %arg3[%add3A_4] : memref<262144xi32, #tpu.memory_space<hbm>> -> memref<4096xi32, #tpu.memory_space<hbm>>
      tpu.wait_dma2 semaphore(%run_scoped3A : memref<!tpu.dma_semaphore, #tpu.memory_space<semaphore_mem>>) src(%dma_wait3A_22 : memref<4096xi32, #tpu.memory_space<hbm>>) dst(%arg5 : memref<4096xi32, #tpu.memory_space<vmem>>)
      tpu.yield
    }) : () -> ()
    %dma_start3A = arith.constant 0 : i32
    %dma_start3A_5 = arith.constant 0 : i32
    %dma_start3A_6 = tpu.memref_slice %arg2[%dma_start3A, %dma_start3A_5] : memref<262144x16xf32, #tpu.memory_space<hbm>> -> memref<262144x16xf32, #tpu.memory_space<hbm>>
    tpu.enqueue_indirect_dma source(%dma_start3A_6 : memref<262144x16xf32, #tpu.memory_space<hbm>>) target(%arg6 : memref<4096x16xf32, #tpu.memory_space<vmem>>) offsets(%arg5 : memref<4096xi32, #tpu.memory_space<vmem>>) semaphore(%arg7 : memref<!tpu.dma_semaphore, #tpu.memory_space<semaphore_mem>>)
    %dma_wait3A = arith.constant 0 : i32
    %dma_wait3A_7 = arith.constant 0 : i32
    %dma_wait3A_8 = tpu.memref_slice %arg2[%dma_wait3A, %dma_wait3A_7] : memref<262144x16xf32, #tpu.memory_space<hbm>> -> memref<262144x16xf32, #tpu.memory_space<hbm>>
    tpu.wait_indirect_dma semaphore(%arg7 : memref<!tpu.dma_semaphore, #tpu.memory_space<semaphore_mem>>) src(%dma_wait3A_8 : memref<262144x16xf32, #tpu.memory_space<hbm>>) dst(%arg6 : memref<4096x16xf32, #tpu.memory_space<vmem>>)
    "tpu.region"() ({
      %run_scoped3A = tpu.sem_alloc : memref<!tpu.dma_semaphore, #tpu.memory_space<semaphore_mem>>
      %dma_start3A_19 = arith.constant 0 : i32
      %dma_start3A_20 = tpu.memref_slice %arg4[%add3A_4, %dma_start3A_19] : memref<262144x16xf32, #tpu.memory_space<hbm>> -> memref<4096x16xf32, #tpu.memory_space<hbm>>
      %dma_start3A_21 = arith.constant 0 : i32
      %dma_start3A_22 = tpu.memref_slice %arg4[%add3A_4, %dma_start3A_21] : memref<262144x16xf32, #tpu.memory_space<hbm>> -> memref<4096x16xf32, #tpu.memory_space<hbm>>
      tpu.enqueue_dma source(%arg6 : memref<4096x16xf32, #tpu.memory_space<vmem>>) target(%dma_start3A_22 : memref<4096x16xf32, #tpu.memory_space<hbm>>) target_semaphore(%run_scoped3A : memref<!tpu.dma_semaphore, #tpu.memory_space<semaphore_mem>>)
      %dma_wait3A_23 = arith.constant 0 : i32
      %dma_wait3A_24 = tpu.memref_slice %arg4[%add3A_4, %dma_wait3A_23] : memref<262144x16xf32, #tpu.memory_space<hbm>> -> memref<4096x16xf32, #tpu.memory_space<hbm>>
      %dma_wait3A_25 = arith.constant 0 : i32
      %dma_wait3A_26 = tpu.memref_slice %arg4[%add3A_4, %dma_wait3A_25] : memref<262144x16xf32, #tpu.memory_space<hbm>> -> memref<4096x16xf32, #tpu.memory_space<hbm>>
      tpu.wait_dma2 semaphore(%run_scoped3A : memref<!tpu.dma_semaphore, #tpu.memory_space<semaphore_mem>>) src(%arg6 : memref<4096x16xf32, #tpu.memory_space<vmem>>) dst(%dma_wait3A_26 : memref<4096x16xf32, #tpu.memory_space<hbm>>)
      tpu.yield
    }) : () -> ()
    %mul3A_9 = arith.constant 8192 : i32
    %mul3A_10 = arith.muli %add3A, %mul3A_9 : i32
    %add3A_11 = arith.constant 4096 : i32
    %add3A_12 = arith.addi %mul3A_10, %add3A_11 : i32
    "tpu.region"() ({
      %run_scoped3A = tpu.sem_alloc : memref<!tpu.dma_semaphore, #tpu.memory_space<semaphore_mem>>
      %dma_start3A_19 = tpu.memref_slice %arg3[%add3A_12] : memref<262144xi32, #tpu.memory_space<hbm>> -> memref<4096xi32, #tpu.memory_space<hbm>>
      %dma_start3A_20 = tpu.memref_slice %arg3[%add3A_12] : memref<262144xi32, #tpu.memory_space<hbm>> -> memref<4096xi32, #tpu.memory_space<hbm>>
      tpu.enqueue_dma source(%dma_start3A_20 : memref<4096xi32, #tpu.memory_space<hbm>>) target(%arg5 : memref<4096xi32, #tpu.memory_space<vmem>>) target_semaphore(%run_scoped3A : memref<!tpu.dma_semaphore, #tpu.memory_space<semaphore_mem>>)
      %dma_wait3A_21 = tpu.memref_slice %arg3[%add3A_12] : memref<262144xi32, #tpu.memory_space<hbm>> -> memref<4096xi32, #tpu.memory_space<hbm>>
      %dma_wait3A_22 = tpu.memref_slice %arg3[%add3A_12] : memref<262144xi32, #tpu.memory_space<hbm>> -> memref<4096xi32, #tpu.memory_space<hbm>>
      tpu.wait_dma2 semaphore(%run_scoped3A : memref<!tpu.dma_semaphore, #tpu.memory_space<semaphore_mem>>) src(%dma_wait3A_22 : memref<4096xi32, #tpu.memory_space<hbm>>) dst(%arg5 : memref<4096xi32, #tpu.memory_space<vmem>>)
      tpu.yield
    }) : () -> ()
    %dma_start3A_13 = arith.constant 0 : i32
    %dma_start3A_14 = arith.constant 0 : i32
    %dma_start3A_15 = tpu.memref_slice %arg2[%dma_start3A_13, %dma_start3A_14] : memref<262144x16xf32, #tpu.memory_space<hbm>> -> memref<262144x16xf32, #tpu.memory_space<hbm>>
    tpu.enqueue_indirect_dma source(%dma_start3A_15 : memref<262144x16xf32, #tpu.memory_space<hbm>>) target(%arg6 : memref<4096x16xf32, #tpu.memory_space<vmem>>) offsets(%arg5 : memref<4096xi32, #tpu.memory_space<vmem>>) semaphore(%arg7 : memref<!tpu.dma_semaphore, #tpu.memory_space<semaphore_mem>>)
    %dma_wait3A_16 = arith.constant 0 : i32
    %dma_wait3A_17 = arith.constant 0 : i32
    %dma_wait3A_18 = tpu.memref_slice %arg2[%dma_wait3A_16, %dma_wait3A_17] : memref<262144x16xf32, #tpu.memory_space<hbm>> -> memref<262144x16xf32, #tpu.memory_space<hbm>>
    tpu.wait_indirect_dma semaphore(%arg7 : memref<!tpu.dma_semaphore, #tpu.memory_space<semaphore_mem>>) src(%dma_wait3A_18 : memref<262144x16xf32, #tpu.memory_space<hbm>>) dst(%arg6 : memref<4096x16xf32, #tpu.memory_space<vmem>>)
    "tpu.region"() ({
      %run_scoped3A = tpu.sem_alloc : memref<!tpu.dma_semaphore, #tpu.memory_space<semaphore_mem>>
      %dma_start3A_19 = arith.constant 0 : i32
      %dma_start3A_20 = tpu.memref_slice %arg4[%add3A_12, %dma_start3A_19] : memref<262144x16xf32, #tpu.memory_space<hbm>> -> memref<4096x16xf32, #tpu.memory_space<hbm>>
      %dma_start3A_21 = arith.constant 0 : i32
      %dma_start3A_22 = tpu.memref_slice %arg4[%add3A_12, %dma_start3A_21] : memref<262144x16xf32, #tpu.memory_space<hbm>> -> memref<4096x16xf32, #tpu.memory_space<hbm>>
      tpu.enqueue_dma source(%arg6 : memref<4096x16xf32, #tpu.memory_space<vmem>>) target(%dma_start3A_22 : memref<4096x16xf32, #tpu.memory_space<hbm>>) target_semaphore(%run_scoped3A : memref<!tpu.dma_semaphore, #tpu.memory_space<semaphore_mem>>)
      %dma_wait3A_23 = arith.constant 0 : i32
      %dma_wait3A_24 = tpu.memref_slice %arg4[%add3A_12, %dma_wait3A_23] : memref<262144x16xf32, #tpu.memory_space<hbm>> -> memref<4096x16xf32, #tpu.memory_space<hbm>>
      %dma_wait3A_25 = arith.constant 0 : i32
      %dma_wait3A_26 = tpu.memref_slice %arg4[%add3A_12, %dma_wait3A_25] : memref<262144x16xf32, #tpu.memory_space<hbm>> -> memref<4096x16xf32, #tpu.memory_space<hbm>>
      tpu.wait_dma2 semaphore(%run_scoped3A : memref<!tpu.dma_semaphore, #tpu.memory_space<semaphore_mem>>) src(%arg6 : memref<4096x16xf32, #tpu.memory_space<vmem>>) dst(%dma_wait3A_26 : memref<4096x16xf32, #tpu.memory_space<hbm>>)
      tpu.yield
    }) : () -> ()
    return
  }
}

module attributes {stable_mosaic.version = 14 : i64} {
  func.func @_fcount_body(%arg0: i32, %arg1: memref<1x1xf32, #tpu.memory_space<smem>>, %arg2: memref<256x128xf32, #tpu.memory_space<vmem>>, %arg3: memref<256x128xf32, #tpu.memory_space<vmem>>, %arg4: memref<256x128xi32, #tpu.memory_space<vmem>>, %arg5: memref<1x1xf32, #tpu.memory_space<vmem>>, %arg6: memref<1x1xi32, #tpu.memory_space<vmem>>, %arg7: memref<1x1xf32, #tpu.memory_space<smem>>) attributes {dimension_semantics = [#tpu.dimension_semantics<arbitrary>], iteration_bounds = array<i64: 8>, scalar_prefetch = 0 : i64, scratch_operands = 1 : i64, tpu.core_type = #tpu.core_type<tc>, window_params = [{transform_indices = @transform_0, window_bounds = array<i64: 1, 1>}, {transform_indices = @transform_1, window_bounds = array<i64: 256, 128>}, {transform_indices = @transform_2, window_bounds = array<i64: 256, 128>}, {transform_indices = @transform_3, window_bounds = array<i64: 256, 128>}, {pipeline_mode = #tpu.pipeline_mode<synchronous>, transform_indices = @transform_4, window_bounds = array<i64: 1, 1>}, {pipeline_mode = #tpu.pipeline_mode<synchronous>, transform_indices = @transform_5, window_bounds = array<i64: 1, 1>}]} {
    %eq3A = arith.constant 0 : i32
    %eq3A_0 = arith.cmpi eq, %arg0, %eq3A : i32
    %convert_element_type3A = arith.extui %eq3A_0 : i1 to i32
    %cond3A = arith.constant 0 : i32
    %cond3A_1 = arith.cmpi ne, %convert_element_type3A, %cond3A : i32
    scf.if %cond3A_1 {
      %swap3A_71 = arith.constant 0.000000e+00 : f32
      %swap3A_72 = arith.constant 0 : index
      %swap3A_73 = arith.constant 0 : index
      %swap3A_74 = memref.load %arg7[%swap3A_72, %swap3A_73] : memref<1x1xf32, #tpu.memory_space<smem>>
      memref.store %swap3A_71, %arg7[%swap3A_72, %swap3A_73] : memref<1x1xf32, #tpu.memory_space<smem>>
    } else {
    }
    %get3A = arith.constant 0 : index
    %get3A_2 = arith.constant 0 : index
    %get3A_3 = memref.load %arg1[%get3A, %get3A_2] : memref<1x1xf32, #tpu.memory_space<smem>>
    %get3A_4 = arith.constant 0 : index
    %get3A_5 = arith.constant 0 : index
    %get3A_6 = vector.load %arg2[%get3A_4, %get3A_5] : memref<256x128xf32, #tpu.memory_space<vmem>>, vector<256x128xf32>
    %mul3A = arith.constant 2.621440e+05 : f32
    %mul3A_7 = vector.broadcast %mul3A : f32 to vector<256x128xf32>
    %mul3A_8 = arith.mulf %get3A_6, %mul3A_7 : vector<256x128xf32>
    %sub3A = vector.broadcast %get3A_3 : f32 to vector<256x128xf32>
    %sub3A_9 = arith.subf %mul3A_8, %sub3A : vector<256x128xf32>
    %floor3A = math.floor %sub3A_9 : vector<256x128xf32>
    %sub3A_10 = arith.constant 1.000000e+00 : f32
    %sub3A_11 = vector.broadcast %sub3A_10 : f32 to vector<256x128xf32>
    %sub3A_12 = arith.subf %floor3A, %sub3A_11 : vector<256x128xf32>
    %add3A = arith.constant -1.000000e+00 : f32
    %add3A_13 = vector.broadcast %add3A : f32 to vector<256x128xf32>
    %add3A_14 = arith.addf %floor3A, %add3A_13 : vector<256x128xf32>
    %add3A_15 = vector.broadcast %get3A_3 : f32 to vector<256x128xf32>
    %add3A_16 = arith.addf %add3A_14, %add3A_15 : vector<256x128xf32>
    %le3A = arith.cmpf ole, %add3A_16, %mul3A_8 : vector<256x128xf32>
    %jit3A = arith.constant 1.000000e+00 : f32
    %jit3A_17 = arith.constant 0.000000e+00 : f32
    %broadcast_in_dim3A = vector.broadcast %jit3A : f32 to vector<256x128xf32>
    %broadcast_in_dim3A_18 = vector.broadcast %jit3A_17 : f32 to vector<256x128xf32>
    %select_n3A = arith.select %le3A, %broadcast_in_dim3A, %broadcast_in_dim3A_18 : vector<256x128xi1>, vector<256x128xf32>
    %add3A_19 = arith.addf %sub3A_12, %select_n3A : vector<256x128xf32>
    %add3A_20 = arith.constant 0.000000e+00 : f32
    %add3A_21 = vector.broadcast %add3A_20 : f32 to vector<256x128xf32>
    %add3A_22 = arith.addf %floor3A, %add3A_21 : vector<256x128xf32>
    %add3A_23 = vector.broadcast %get3A_3 : f32 to vector<256x128xf32>
    %add3A_24 = arith.addf %add3A_22, %add3A_23 : vector<256x128xf32>
    %le3A_25 = arith.cmpf ole, %add3A_24, %mul3A_8 : vector<256x128xf32>
    %jit3A_26 = arith.constant 1.000000e+00 : f32
    %jit3A_27 = arith.constant 0.000000e+00 : f32
    %broadcast_in_dim3A_28 = vector.broadcast %jit3A_26 : f32 to vector<256x128xf32>
    %broadcast_in_dim3A_29 = vector.broadcast %jit3A_27 : f32 to vector<256x128xf32>
    %select_n3A_30 = arith.select %le3A_25, %broadcast_in_dim3A_28, %broadcast_in_dim3A_29 : vector<256x128xi1>, vector<256x128xf32>
    %add3A_31 = arith.addf %add3A_19, %select_n3A_30 : vector<256x128xf32>
    %add3A_32 = arith.constant 1.000000e+00 : f32
    %add3A_33 = vector.broadcast %add3A_32 : f32 to vector<256x128xf32>
    %add3A_34 = arith.addf %floor3A, %add3A_33 : vector<256x128xf32>
    %add3A_35 = vector.broadcast %get3A_3 : f32 to vector<256x128xf32>
    %add3A_36 = arith.addf %add3A_34, %add3A_35 : vector<256x128xf32>
    %le3A_37 = arith.cmpf ole, %add3A_36, %mul3A_8 : vector<256x128xf32>
    %jit3A_38 = arith.constant 1.000000e+00 : f32
    %jit3A_39 = arith.constant 0.000000e+00 : f32
    %broadcast_in_dim3A_40 = vector.broadcast %jit3A_38 : f32 to vector<256x128xf32>
    %broadcast_in_dim3A_41 = vector.broadcast %jit3A_39 : f32 to vector<256x128xf32>
    %select_n3A_42 = arith.select %le3A_37, %broadcast_in_dim3A_40, %broadcast_in_dim3A_41 : vector<256x128xi1>, vector<256x128xf32>
    %add3A_43 = arith.addf %add3A_31, %select_n3A_42 : vector<256x128xf32>
    %jit3A_44 = arith.constant 0.000000e+00 : f32
    %jit3A_45 = arith.constant 2.621440e+05 : f32
    %max3A = vector.broadcast %jit3A_44 : f32 to vector<256x128xf32>
    %max3A_46 = arith.maximumf %max3A, %add3A_43 : vector<256x128xf32>
    %min3A = vector.broadcast %jit3A_45 : f32 to vector<256x128xf32>
    %min3A_47 = arith.minimumf %min3A, %max3A_46 : vector<256x128xf32>
    %convert_element_type3A_48 = arith.fptosi %min3A_47 : vector<256x128xf32> to vector<256x128xi32>
    %swap3A = arith.constant 0 : index
    %swap3A_49 = arith.constant 0 : index
    %swap3A_50 = vector.load %arg4[%swap3A, %swap3A_49] : memref<256x128xi32, #tpu.memory_space<vmem>>, vector<256x128xi32>
    tpu.vector_store %arg4[%swap3A, %swap3A_49], %convert_element_type3A_48 {strides = array<i32>} : memref<256x128xi32, #tpu.memory_space<vmem>>, vector<256x128xi32>,
    %get3A_51 = arith.constant 0 : index
    %get3A_52 = arith.constant 0 : index
    %get3A_53 = vector.load %arg3[%get3A_51, %get3A_52] : memref<256x128xf32, #tpu.memory_space<vmem>>, vector<256x128xf32>
    %get3A_54 = arith.constant 0 : index
    %get3A_55 = arith.constant 0 : index
    %get3A_56 = memref.load %arg7[%get3A_54, %get3A_55] : memref<1x1xf32, #tpu.memory_space<smem>>
    %mul3A_57 = arith.mulf %get3A_53, %get3A_53 : vector<256x128xf32>
    %reduce_sum3A = vector.shape_cast %mul3A_57 : vector<256x128xf32> to vector<1x256x128xf32>
    %reduce_sum3A_58 = arith.constant dense<0.000000e+00> : vector<1xf32>
    %reduce_sum3A_59 = vector.multi_reduction <add>, %reduce_sum3A, %reduce_sum3A_58 [1, 2] : vector<1x256x128xf32> to vector<1xf32>
    %reduce_sum3A_60 = vector.shape_cast %reduce_sum3A_59 : vector<1xf32> to vector<1x1x1xf32>
    %reduce_sum3A_61 = vector.extract %reduce_sum3A_60[0, 0, 0] : f32 from vector<1x1x1xf32>
    %add3A_62 = arith.addf %get3A_56, %reduce_sum3A_61 : f32
    %swap3A_63 = arith.constant 0 : index
    %swap3A_64 = arith.constant 0 : index
    %swap3A_65 = memref.load %arg7[%swap3A_63, %swap3A_64] : memref<1x1xf32, #tpu.memory_space<smem>>
    memref.store %add3A_62, %arg7[%swap3A_63, %swap3A_64] : memref<1x1xf32, #tpu.memory_space<smem>>
    %eq3A_66 = arith.constant 7 : i32
    %eq3A_67 = arith.cmpi eq, %arg0, %eq3A_66 : i32
    %convert_element_type3A_68 = arith.extui %eq3A_67 : i1 to i32
    %cond3A_69 = arith.constant 0 : i32
    %cond3A_70 = arith.cmpi ne, %convert_element_type3A_68, %cond3A_69 : i32
    scf.if %cond3A_70 {
      %get3A_71 = arith.constant 0 : index
      %get3A_72 = arith.constant 0 : index
      %get3A_73 = memref.load %arg7[%get3A_71, %get3A_72] : memref<1x1xf32, #tpu.memory_space<smem>>
      %div3A = arith.constant 1.000000e+00 : f32
      %div3A_74 = arith.divf %div3A, %get3A_73 : f32
      %broadcast_in_dim3A_75 = vector.broadcast %div3A_74 : f32 to vector<1x1xf32>
      %swap3A_76 = arith.constant 0 : index
      %swap3A_77 = arith.constant 0 : index
      %swap3A_78 = vector.load %arg5[%swap3A_76, %swap3A_77] : memref<1x1xf32, #tpu.memory_space<vmem>>, vector<1x1xf32>
      tpu.vector_store %arg5[%swap3A_76, %swap3A_77], %broadcast_in_dim3A_75 {strides = array<i32>} : memref<1x1xf32, #tpu.memory_space<vmem>>, vector<1x1xf32>,
      %lt3A = arith.constant 1.310720e+05 : f32
      %lt3A_79 = arith.cmpf olt, %div3A_74, %lt3A : f32
      %broadcast_in_dim3A_80 = arith.constant 1 : i32
      %broadcast_in_dim3A_81 = vector.broadcast %broadcast_in_dim3A_80 : i32 to vector<1x1xi32>
      %broadcast_in_dim3A_82 = arith.constant 0 : i32
      %broadcast_in_dim3A_83 = vector.broadcast %broadcast_in_dim3A_82 : i32 to vector<1x1xi32>
      %select_n3A_84 = arith.select %lt3A_79, %broadcast_in_dim3A_81, %broadcast_in_dim3A_83 : vector<1x1xi32>
      %swap3A_85 = arith.constant 0 : index
      %swap3A_86 = arith.constant 0 : index
      %swap3A_87 = vector.load %arg6[%swap3A_85, %swap3A_86] : memref<1x1xi32, #tpu.memory_space<vmem>>, vector<1x1xi32>
      tpu.vector_store %arg6[%swap3A_85, %swap3A_86], %select_n3A_84 {strides = array<i32>} : memref<1x1xi32, #tpu.memory_space<vmem>>, vector<1x1xi32>,
    } else {
    }
    return
  }
  func.func @transform_0(%arg0: i32) -> (i32, i32) {
    %c0_i32 = arith.constant 0 : i32
    %c0_i32_0 = arith.constant 0 : i32
    %c0_i32_1 = arith.constant 0 : i32
    return %c0_i32, %c0_i32_0 : i32, i32
  }
  func.func @transform_1(%arg0: i32) -> (i32, i32) {
    %c0_i32 = arith.constant 0 : i32
    %c0_i32_0 = arith.constant 0 : i32
    return %arg0, %c0_i32 : i32, i32
  }
  func.func @transform_2(%arg0: i32) -> (i32, i32) {
    %c0_i32 = arith.constant 0 : i32
    %c0_i32_0 = arith.constant 0 : i32
    return %arg0, %c0_i32 : i32, i32
  }
  func.func @transform_3(%arg0: i32) -> (i32, i32) {
    %c0_i32 = arith.constant 0 : i32
    %c0_i32_0 = arith.constant 0 : i32
    return %arg0, %c0_i32 : i32, i32
  }
  func.func @transform_4(%arg0: i32) -> (i32, i32) {
    %c0_i32 = arith.constant 0 : i32
    %c0_i32_0 = arith.constant 0 : i32
    %c0_i32_1 = arith.constant 0 : i32
    return %c0_i32, %c0_i32_0 : i32, i32
  }
  func.func @transform_5(%arg0: i32) -> (i32, i32) {
    %c0_i32 = arith.constant 0 : i32
    %c0_i32_0 = arith.constant 0 : i32
    %c0_i32_1 = arith.constant 0 : i32
    return %c0_i32, %c0_i32_0 : i32, i32
  }
}

module attributes {stable_mosaic.version = 14 : i64} {
  func.func @_scan_body(%arg0: i32, %arg1: memref<1x1xi32, #tpu.memory_space<smem>>, %arg2: memref<2x256x128xi32, #tpu.memory_space<vmem>>, %arg3: memref<128x128xf32, #tpu.memory_space<vmem>>, %arg4: memref<256x256xf32, #tpu.memory_space<vmem>>, %arg5: memref<256x128xi32, #tpu.memory_space<vmem>>, %arg6: memref<1x1xf32, #tpu.memory_space<smem>>) attributes {dimension_semantics = [#tpu.dimension_semantics<arbitrary>], iteration_bounds = array<i64: 8>, scalar_prefetch = 0 : i64, scratch_operands = 1 : i64, tpu.core_type = #tpu.core_type<tc>, window_params = [{transform_indices = @transform_0, window_bounds = array<i64: 1, 1>}, {transform_indices = @transform_1, window_bounds = array<i64: 2, 256, 128>}, {pipeline_mode = #tpu.pipeline_mode<synchronous>, transform_indices = @transform_2, window_bounds = array<i64: 128, 128>}, {pipeline_mode = #tpu.pipeline_mode<synchronous>, transform_indices = @transform_3, window_bounds = array<i64: 256, 256>}, {transform_indices = @transform_4, window_bounds = array<i64: 256, 128>}]} {
    %eq3A = arith.constant 0 : i32
    %eq3A_0 = arith.cmpi eq, %arg0, %eq3A : i32
    %convert_element_type3A = arith.extui %eq3A_0 : i1 to i32
    %cond3A = arith.constant 0 : i32
    %cond3A_1 = arith.cmpi ne, %convert_element_type3A, %cond3A : i32
    scf.if %cond3A_1 {
      %swap3A_57 = arith.constant 0.000000e+00 : f32
      %swap3A_58 = arith.constant 0 : index
      %swap3A_59 = arith.constant 0 : index
      %swap3A_60 = memref.load %arg6[%swap3A_58, %swap3A_59] : memref<1x1xf32, #tpu.memory_space<smem>>
      memref.store %swap3A_57, %arg6[%swap3A_58, %swap3A_59] : memref<1x1xf32, #tpu.memory_space<smem>>
    } else {
    }
    %get3A = arith.constant 0 : index
    %get3A_2 = arith.constant 0 : index
    %get3A_3 = arith.constant 0 : index
    %get3A_4 = vector.load %arg2[%get3A, %get3A_2, %get3A_3] : memref<2x256x128xi32, #tpu.memory_space<vmem>>, vector<1x256x128xi32>
    %get3A_5 = vector.shape_cast %get3A_4 : vector<1x256x128xi32> to vector<256x128xi32>
    %get3A_6 = arith.constant 1 : index
    %get3A_7 = arith.constant 0 : index
    %get3A_8 = arith.constant 0 : index
    %get3A_9 = vector.load %arg2[%get3A_6, %get3A_7, %get3A_8] : memref<2x256x128xi32, #tpu.memory_space<vmem>>, vector<1x256x128xi32>
    %get3A_10 = vector.shape_cast %get3A_9 : vector<1x256x128xi32> to vector<256x128xi32>
    %add3A = arith.addi %get3A_5, %get3A_10 : vector<256x128xi32>
    %convert_element_type3A_11 = arith.sitofp %add3A : vector<256x128xi32> to vector<256x128xf32>
    %get3A_12 = arith.constant 0 : index
    %get3A_13 = arith.constant 0 : index
    %get3A_14 = vector.load %arg3[%get3A_12, %get3A_13] : memref<128x128xf32, #tpu.memory_space<vmem>>, vector<128x128xf32>
    %dot_general3A = arith.constant dense<0.000000e+00> : vector<256x128xf32>
    %dot_general3A_15 = tpu.matmul %convert_element_type3A_11, %get3A_14, %dot_general3A {dimension_numbers = #tpu.dot_dimension_numbers<[1], [0], [0], [1], [0, 0, 1, 1], [], []>, precision = #tpu.contract_precision<fp32>, transpose_lhs_hint = false} : vector<256x128xf32>, vector<128x128xf32>, vector<256x128xf32> -> vector<256x128xf32>
    %slice3A = vector.extract_strided_slice %dot_general3A_15 {offsets = [0, 127], sizes = [256, 1], strides = [1, 1]} : vector<256x128xf32> to vector<256x1xf32>
    %broadcast_in_dim3A = vector.shape_cast %slice3A : vector<256x1xf32> to vector<256x1xf32>
    %broadcast_in_dim3A_16 = vector.broadcast %broadcast_in_dim3A : vector<256x1xf32> to vector<256x128xf32>
    %get3A_17 = arith.constant 0 : index
    %get3A_18 = arith.constant 0 : index
    %get3A_19 = vector.load %arg4[%get3A_17, %get3A_18] : memref<256x256xf32, #tpu.memory_space<vmem>>, vector<256x256xf32>
    %dot_general3A_20 = arith.constant dense<0.000000e+00> : vector<256x128xf32>
    %dot_general3A_21 = tpu.matmul %get3A_19, %broadcast_in_dim3A_16, %dot_general3A_20 {dimension_numbers = #tpu.dot_dimension_numbers<[1], [0], [0], [1], [0, 0, 1, 1], [], []>, precision = #tpu.contract_precision<fp32>, transpose_lhs_hint = false} : vector<256x256xf32>, vector<256x128xf32>, vector<256x128xf32> -> vector<256x128xf32>
    %add3A_22 = arith.addf %dot_general3A_15, %dot_general3A_21 : vector<256x128xf32>
    %get3A_23 = arith.constant 0 : index
    %get3A_24 = arith.constant 0 : index
    %get3A_25 = memref.load %arg6[%get3A_23, %get3A_24] : memref<1x1xf32, #tpu.memory_space<smem>>
    %add3A_26 = vector.broadcast %get3A_25 : f32 to vector<256x128xf32>
    %add3A_27 = arith.addf %add3A_22, %add3A_26 : vector<256x128xf32>
    %get3A_28 = arith.constant 0 : index
    %get3A_29 = arith.constant 0 : index
    %get3A_30 = memref.load %arg6[%get3A_28, %get3A_29] : memref<1x1xf32, #tpu.memory_space<smem>>
    %reduce_sum3A = vector.shape_cast %convert_element_type3A_11 : vector<256x128xf32> to vector<1x256x128xf32>
    %reduce_sum3A_31 = arith.constant dense<0.000000e+00> : vector<1xf32>
    %reduce_sum3A_32 = vector.multi_reduction <add>, %reduce_sum3A, %reduce_sum3A_31 [1, 2] : vector<1x256x128xf32> to vector<1xf32>
    %reduce_sum3A_33 = vector.shape_cast %reduce_sum3A_32 : vector<1xf32> to vector<1x1x1xf32>
    %reduce_sum3A_34 = vector.extract %reduce_sum3A_33[0, 0, 0] : f32 from vector<1x1x1xf32>
    %add3A_35 = arith.addf %get3A_30, %reduce_sum3A_34 : f32
    %swap3A = arith.constant 0 : index
    %swap3A_36 = arith.constant 0 : index
    %swap3A_37 = memref.load %arg6[%swap3A, %swap3A_36] : memref<1x1xf32, #tpu.memory_space<smem>>
    memref.store %add3A_35, %arg6[%swap3A, %swap3A_36] : memref<1x1xf32, #tpu.memory_space<smem>>
    %jit3A = arith.constant 0.000000e+00 : f32
    %jit3A_38 = arith.constant 2.621430e+05 : f32
    %max3A = vector.broadcast %jit3A : f32 to vector<256x128xf32>
    %max3A_39 = arith.maximumf %max3A, %add3A_27 : vector<256x128xf32>
    %min3A = vector.broadcast %jit3A_38 : f32 to vector<256x128xf32>
    %min3A_40 = arith.minimumf %min3A, %max3A_39 : vector<256x128xf32>
    %convert_element_type3A_41 = arith.fptosi %min3A_40 : vector<256x128xf32> to vector<256x128xi32>
    %iota3A = tpu.iota {dimensions = array<i32: 0>} : vector<256x128xi32>
    %mul3A = arith.constant 128 : i32
    %mul3A_42 = vector.broadcast %mul3A : i32 to vector<256x128xi32>
    %mul3A_43 = arith.muli %iota3A, %mul3A_42 : vector<256x128xi32>
    %iota3A_44 = tpu.iota {dimensions = array<i32: 1>} : vector<256x128xi32>
    %add3A_45 = arith.addi %mul3A_43, %iota3A_44 : vector<256x128xi32>
    %mul3A_46 = arith.constant 32768 : i32
    %mul3A_47 = arith.muli %arg0, %mul3A_46 : i32
    %add3A_48 = vector.broadcast %mul3A_47 : i32 to vector<256x128xi32>
    %add3A_49 = arith.addi %add3A_45, %add3A_48 : vector<256x128xi32>
    %get3A_50 = arith.constant 0 : index
    %get3A_51 = arith.constant 0 : index
    %get3A_52 = memref.load %arg1[%get3A_50, %get3A_51] : memref<1x1xi32, #tpu.memory_space<smem>>
    %gt3A = arith.constant 0 : i32
    %gt3A_53 = arith.cmpi sgt, %get3A_52, %gt3A : i32
    %select_n3A = arith.select %gt3A_53, %convert_element_type3A_41, %add3A_49 : vector<256x128xi32>
    %swap3A_54 = arith.constant 0 : index
    %swap3A_55 = arith.constant 0 : index
    %swap3A_56 = vector.load %arg5[%swap3A_54, %swap3A_55] : memref<256x128xi32, #tpu.memory_space<vmem>>, vector<256x128xi32>
    tpu.vector_store %arg5[%swap3A_54, %swap3A_55], %select_n3A {strides = array<i32>} : memref<256x128xi32, #tpu.memory_space<vmem>>, vector<256x128xi32>,
    return
  }
  func.func @transform_0(%arg0: i32) -> (i32, i32) {
    %c0_i32 = arith.constant 0 : i32
    %c0_i32_0 = arith.constant 0 : i32
    %c0_i32_1 = arith.constant 0 : i32
    return %c0_i32, %c0_i32_0 : i32, i32
  }
  func.func @transform_1(%arg0: i32) -> (i32, i32, i32) {
    %c0_i32 = arith.constant 0 : i32
    %c0_i32_0 = arith.constant 0 : i32
    %c0_i32_1 = arith.constant 0 : i32
    return %c0_i32, %arg0, %c0_i32_0 : i32, i32, i32
  }
  func.func @transform_2(%arg0: i32) -> (i32, i32) {
    %c0_i32 = arith.constant 0 : i32
    %c0_i32_0 = arith.constant 0 : i32
    %c0_i32_1 = arith.constant 0 : i32
    return %c0_i32, %c0_i32_0 : i32, i32
  }
  func.func @transform_3(%arg0: i32) -> (i32, i32) {
    %c0_i32 = arith.constant 0 : i32
    %c0_i32_0 = arith.constant 0 : i32
    %c0_i32_1 = arith.constant 0 : i32
    return %c0_i32, %c0_i32_0 : i32, i32
  }
  func.func @transform_4(%arg0: i32) -> (i32, i32) {
    %c0_i32 = arith.constant 0 : i32
    %c0_i32_0 = arith.constant 0 : i32
    return %arg0, %c0_i32 : i32, i32
  }
}

module attributes {stable_mosaic.version = 14 : i64} {
  func.func @_dense_body(%arg0: i32, %arg1: memref<1x1xi32, #tpu.memory_space<smem>>, %arg2: memref<2048x128xf32, #tpu.memory_space<vmem>>, %arg3: memref<2048x128xf32, #tpu.memory_space<vmem>>, %arg4: memref<2048x8xf32, #tpu.memory_space<vmem>>, %arg5: memref<128x128xf32, #tpu.memory_space<vmem>>, %arg6: memref<128x64xf32, #tpu.memory_space<vmem>>, %arg7: memref<128x8xf32, #tpu.memory_space<vmem>>, %arg8: memref<64x8xf32, #tpu.memory_space<vmem>>, %arg9: memref<8x64xf32, #tpu.memory_space<vmem>>, %arg10: memref<2048x128xf32, #tpu.memory_space<vmem>>, %arg11: memref<2048x8xf32, #tpu.memory_space<vmem>>, %arg12: memref<2048x8xf32, #tpu.memory_space<vmem>>) attributes {dimension_semantics = [#tpu.dimension_semantics<arbitrary>], iteration_bounds = array<i64: 16>, scalar_prefetch = 0 : i64, scratch_operands = 0 : i64, tpu.core_type = #tpu.core_type<tc>, window_params = [{transform_indices = @transform_0, window_bounds = array<i64: 1, 1>}, {transform_indices = @transform_1, window_bounds = array<i64: 2048, 128>}, {transform_indices = @transform_2, window_bounds = array<i64: 2048, 128>}, {transform_indices = @transform_3, window_bounds = array<i64: 2048, 8>}, {pipeline_mode = #tpu.pipeline_mode<synchronous>, transform_indices = @transform_4, window_bounds = array<i64: 128, 128>}, {pipeline_mode = #tpu.pipeline_mode<synchronous>, transform_indices = @transform_5, window_bounds = array<i64: 128, 64>}, {pipeline_mode = #tpu.pipeline_mode<synchronous>, transform_indices = @transform_6, window_bounds = array<i64: 128, 8>}, {pipeline_mode = #tpu.pipeline_mode<synchronous>, transform_indices = @transform_7, window_bounds = array<i64: 64, 8>}, {pipeline_mode = #tpu.pipeline_mode<synchronous>, transform_indices = @transform_8, window_bounds = array<i64: 8, 64>}, {transform_indices = @transform_9, window_bounds = array<i64: 2048, 128>}, {transform_indices = @transform_10, window_bounds = array<i64: 2048, 8>}, {transform_indices = @transform_11, window_bounds = array<i64: 2048, 8>}]} {
    %get3A = arith.constant 0 : index
    %get3A_0 = arith.constant 0 : index
    %get3A_1 = memref.load %arg1[%get3A, %get3A_0] : memref<1x1xi32, #tpu.memory_space<smem>>
    %gt3A = arith.constant 0 : i32
    %gt3A_2 = arith.cmpi sgt, %get3A_1, %gt3A : i32
    %get3A_3 = arith.constant 0 : index
    %get3A_4 = arith.constant 0 : index
    %get3A_5 = vector.load %arg2[%get3A_3, %get3A_4] : memref<2048x128xf32, #tpu.memory_space<vmem>>, vector<2048x128xf32>
    %get3A_6 = arith.constant 0 : index
    %get3A_7 = arith.constant 0 : index
    %get3A_8 = vector.load %arg5[%get3A_6, %get3A_7] : memref<128x128xf32, #tpu.memory_space<vmem>>, vector<128x128xf32>
    %dot_general3A = arith.constant dense<0.000000e+00> : vector<2048x128xf32>
    %dot_general3A_9 = tpu.matmul %get3A_5, %get3A_8, %dot_general3A {dimension_numbers = #tpu.dot_dimension_numbers<[1], [0], [0], [1], [0, 0, 1, 1], [], []>, precision = #tpu.contract_precision<fp32>, transpose_lhs_hint = false} : vector<2048x128xf32>, vector<128x128xf32>, vector<2048x128xf32> -> vector<2048x128xf32>
    %get3A_10 = arith.constant 0 : index
    %get3A_11 = arith.constant 0 : index
    %get3A_12 = vector.load %arg3[%get3A_10, %get3A_11] : memref<2048x128xf32, #tpu.memory_space<vmem>>, vector<2048x128xf32>
    %mul3A = arith.constant 5.000000e-01 : f32
    %mul3A_13 = vector.broadcast %mul3A : f32 to vector<2048x128xf32>
    %mul3A_14 = arith.mulf %mul3A_13, %get3A_12 : vector<2048x128xf32>
    %add3A = arith.addf %dot_general3A_9, %mul3A_14 : vector<2048x128xf32>
    %swap3A = arith.constant 0 : index
    %swap3A_15 = arith.constant 0 : index
    %swap3A_16 = vector.load %arg10[%swap3A, %swap3A_15] : memref<2048x128xf32, #tpu.memory_space<vmem>>, vector<2048x128xf32>
    tpu.vector_store %arg10[%swap3A, %swap3A_15], %add3A {strides = array<i32>} : memref<2048x128xf32, #tpu.memory_space<vmem>>, vector<2048x128xf32>,
    %sub3A = arith.subf %add3A, %dot_general3A_9 : vector<2048x128xf32>
    %div3A = arith.constant 5.000000e-01 : f32
    %div3A_17 = vector.broadcast %div3A : f32 to vector<2048x128xf32>
    %div3A_18 = arith.divf %sub3A, %div3A_17 : vector<2048x128xf32>
    %mul3A_19 = arith.constant -5.000000e-01 : f32
    %mul3A_20 = vector.broadcast %mul3A_19 : f32 to vector<2048x128xf32>
    %mul3A_21 = arith.mulf %mul3A_20, %div3A_18 : vector<2048x128xf32>
    %mul3A_22 = arith.mulf %mul3A_21, %div3A_18 : vector<2048x128xf32>
    %sub3A_23 = arith.constant -0.693147182 : f32
    %sub3A_24 = vector.broadcast %sub3A_23 : f32 to vector<2048x128xf32>
    %sub3A_25 = arith.subf %mul3A_22, %sub3A_24 : vector<2048x128xf32>
    %sub3A_26 = arith.constant 0.918938517 : f32
    %sub3A_27 = vector.broadcast %sub3A_26 : f32 to vector<2048x128xf32>
    %sub3A_28 = arith.subf %sub3A_25, %sub3A_27 : vector<2048x128xf32>
    %get3A_29 = arith.constant 0 : index
    %get3A_30 = arith.constant 0 : index
    %get3A_31 = vector.load %arg7[%get3A_29, %get3A_30] : memref<128x8xf32, #tpu.memory_space<vmem>>, vector<128x8xf32>
    %dot_general3A_32 = arith.constant dense<0.000000e+00> : vector<2048x8xf32>
    %dot_general3A_33 = tpu.matmul %sub3A_28, %get3A_31, %dot_general3A_32 {dimension_numbers = #tpu.dot_dimension_numbers<[1], [0], [0], [1], [0, 0, 1, 1], [], []>, precision = #tpu.contract_precision<fp32>, transpose_lhs_hint = false} : vector<2048x128xf32>, vector<128x8xf32>, vector<2048x8xf32> -> vector<2048x8xf32>
    %get3A_34 = arith.constant 0 : index
    %get3A_35 = arith.constant 0 : index
    %get3A_36 = vector.load %arg6[%get3A_34, %get3A_35] : memref<128x64xf32, #tpu.memory_space<vmem>>, vector<128x64xf32>
    %dot_general3A_37 = arith.constant dense<0.000000e+00> : vector<2048x64xf32>
    %dot_general3A_38 = tpu.matmul %add3A, %get3A_36, %dot_general3A_37 {dimension_numbers = #tpu.dot_dimension_numbers<[1], [0], [0], [1], [0, 0, 1, 1], [], []>, precision = #tpu.contract_precision<fp32>, transpose_lhs_hint = false} : vector<2048x128xf32>, vector<128x64xf32>, vector<2048x64xf32> -> vector<2048x64xf32>
    %get3A_39 = arith.constant 0 : index
    %get3A_40 = arith.constant 0 : index
    %get3A_41 = vector.load %arg9[%get3A_39, %get3A_40] : memref<8x64xf32, #tpu.memory_space<vmem>>, vector<1x64xf32>
    %sub3A_42 = vector.broadcast %get3A_41 : vector<1x64xf32> to vector<2048x64xf32>
    %sub3A_43 = arith.subf %sub3A_42, %dot_general3A_38 : vector<2048x64xf32>
    %mul3A_44 = arith.constant -5.000000e-01 : f32
    %mul3A_45 = vector.broadcast %mul3A_44 : f32 to vector<2048x64xf32>
    %mul3A_46 = arith.mulf %mul3A_45, %sub3A_43 : vector<2048x64xf32>
    %mul3A_47 = arith.mulf %mul3A_46, %sub3A_43 : vector<2048x64xf32>
    %sub3A_48 = arith.constant 0.918938517 : f32
    %sub3A_49 = vector.broadcast %sub3A_48 : f32 to vector<2048x64xf32>
    %sub3A_50 = arith.subf %mul3A_47, %sub3A_49 : vector<2048x64xf32>
    %get3A_51 = arith.constant 0 : index
    %get3A_52 = arith.constant 0 : index
    %get3A_53 = vector.load %arg8[%get3A_51, %get3A_52] : memref<64x8xf32, #tpu.memory_space<vmem>>, vector<64x8xf32>
    %dot_general3A_54 = arith.constant dense<0.000000e+00> : vector<2048x8xf32>
    %dot_general3A_55 = tpu.matmul %sub3A_50, %get3A_53, %dot_general3A_54 {dimension_numbers = #tpu.dot_dimension_numbers<[1], [0], [0], [1], [0, 0, 1, 1], [], []>, precision = #tpu.contract_precision<fp32>, transpose_lhs_hint = false} : vector<2048x64xf32>, vector<64x8xf32>, vector<2048x8xf32> -> vector<2048x8xf32>
    %add3A_56 = arith.addf %dot_general3A_33, %dot_general3A_55 : vector<2048x8xf32>
    %sub3A_57 = arith.subf %add3A_56, %dot_general3A_33 : vector<2048x8xf32>
    %swap3A_58 = arith.constant 0 : index
    %swap3A_59 = arith.constant 0 : index
    %swap3A_60 = vector.load %arg12[%swap3A_58, %swap3A_59] : memref<2048x8xf32, #tpu.memory_space<vmem>>, vector<2048x8xf32>
    tpu.vector_store %arg12[%swap3A_58, %swap3A_59], %sub3A_57 {strides = array<i32>} : memref<2048x8xf32, #tpu.memory_space<vmem>>, vector<2048x8xf32>,
    %broadcast_in_dim3A = arith.constant -12.4766493 : f32
    %broadcast_in_dim3A_61 = vector.broadcast %broadcast_in_dim3A : f32 to vector<2048x8xf32>
    %get3A_62 = arith.constant 0 : index
    %get3A_63 = arith.constant 0 : index
    %get3A_64 = vector.load %arg4[%get3A_62, %get3A_63] : memref<2048x8xf32, #tpu.memory_space<vmem>>, vector<2048x8xf32>
    %select_n3A = arith.select %gt3A_2, %broadcast_in_dim3A_61, %get3A_64 : vector<2048x8xf32>
    %add3A_65 = arith.addf %select_n3A, %sub3A_57 : vector<2048x8xf32>
    %swap3A_66 = arith.constant 0 : index
    %swap3A_67 = arith.constant 0 : index
    %swap3A_68 = vector.load %arg11[%swap3A_66, %swap3A_67] : memref<2048x8xf32, #tpu.memory_space<vmem>>, vector<2048x8xf32>
    tpu.vector_store %arg11[%swap3A_66, %swap3A_67], %add3A_65 {strides = array<i32>} : memref<2048x8xf32, #tpu.memory_space<vmem>>, vector<2048x8xf32>,
    return
  }
  func.func @transform_0(%arg0: i32) -> (i32, i32) {
    %c0_i32 = arith.constant 0 : i32
    %c0_i32_0 = arith.constant 0 : i32
    %c0_i32_1 = arith.constant 0 : i32
    return %c0_i32, %c0_i32_0 : i32, i32
  }
  func.func @transform_1(%arg0: i32) -> (i32, i32) {
    %c0_i32 = arith.constant 0 : i32
    %c0_i32_0 = arith.constant 0 : i32
    return %arg0, %c0_i32 : i32, i32
  }
  func.func @transform_2(%arg0: i32) -> (i32, i32) {
    %c0_i32 = arith.constant 0 : i32
    %c0_i32_0 = arith.constant 0 : i32
    return %arg0, %c0_i32 : i32, i32
  }
  func.func @transform_3(%arg0: i32) -> (i32, i32) {
    %c0_i32 = arith.constant 0 : i32
    %c0_i32_0 = arith.constant 0 : i32
    return %arg0, %c0_i32 : i32, i32
  }
  func.func @transform_4(%arg0: i32) -> (i32, i32) {
    %c0_i32 = arith.constant 0 : i32
    %c0_i32_0 = arith.constant 0 : i32
    %c0_i32_1 = arith.constant 0 : i32
    return %c0_i32, %c0_i32_0 : i32, i32
  }
  func.func @transform_5(%arg0: i32) -> (i32, i32) {
    %c0_i32 = arith.constant 0 : i32
    %c0_i32_0 = arith.constant 0 : i32
    %c0_i32_1 = arith.constant 0 : i32
    return %c0_i32, %c0_i32_0 : i32, i32
  }
  func.func @transform_6(%arg0: i32) -> (i32, i32) {
    %c0_i32 = arith.constant 0 : i32
    %c0_i32_0 = arith.constant 0 : i32
    %c0_i32_1 = arith.constant 0 : i32
    return %c0_i32, %c0_i32_0 : i32, i32
  }
  func.func @transform_7(%arg0: i32) -> (i32, i32) {
    %c0_i32 = arith.constant 0 : i32
    %c0_i32_0 = arith.constant 0 : i32
    %c0_i32_1 = arith.constant 0 : i32
    return %c0_i32, %c0_i32_0 : i32, i32
  }
  func.func @transform_8(%arg0: i32) -> (i32, i32) {
    %c0_i32 = arith.constant 0 : i32
    %c0_i32_0 = arith.constant 0 : i32
    %c0_i32_1 = arith.constant 0 : i32
    return %c0_i32, %c0_i32_0 : i32, i32
  }
  func.func @transform_9(%arg0: i32) -> (i32, i32) {
    %c0_i32 = arith.constant 0 : i32
    %c0_i32_0 = arith.constant 0 : i32
    return %arg0, %c0_i32 : i32, i32
  }
  func.func @transform_10(%arg0: i32) -> (i32, i32) {
    %c0_i32 = arith.constant 0 : i32
    %c0_i32_0 = arith.constant 0 : i32
    return %arg0, %c0_i32 : i32, i32
  }
  func.func @transform_11(%arg0: i32) -> (i32, i32) {
    %c0_i32 = arith.constant 0 : i32
    %c0_i32_0 = arith.constant 0 : i32
    return %arg0, %c0_i32 : i32, i32
  }
}

</mosaic_0001>

<sc_bundles>
// kernel: kernel.12.cloned.1.call-start
scs
__scs_entry_jumppad:
0x0: {  	(pc) =	sbr.rel $0x88, $3  }
0x1: {  	(tag) =	ssettag $0x0;
	lr =	simm.s32 $0x1  }
0x2: {  	[smem:$0x3F9C] =	sst lr;
	_ =	strace $0xD0000000  }
0x3: {  	_ = 	snop  }
0x4: {  	_ = 	snop  }
0x5: {  	_ = 	snop  }
0x6: {  	_ = 	snop  }
0x7: {  	_ = 	snop  }
__scs_overlays_trampoline_lowered:
0x8: {  	[smem:$0x3FAB] =	sst s0  }
0x9: {  	[smem:$0x3FAC] =	sst s1  }
0xa: {  	[smem:$0x3FAD] =	sst s2  }
0xb: {  	[smem:$0x3FAE] =	sst s3  }
0xc: {  	[smem:$0x3FAF] =	sst s4  }
0xd: {  	[smem:$0x3FB0] =	sst s5  }
0xe: {  	[smem:$0x3FB1] =	sst s6  }
0xf: {  	[smem:$0x3FB2] =	sst s7  }
0x10: {  	[smem:$0x3FB3] =	sst s8  }
0x11: {  	[smem:$0x3FB4] =	sst s9;
	s0 =	simm.s32 @!p0 $0x0  }
0x12: {  	s1 =	sld [smem:$0x3F9A];
	s0 =	simm.s32 @p0 $0x1  }
0x13: {  	[smem:$0x3FB5] =	sst s0;
	s0 =	simm.s32 @!p1 $0x0  }
0x14: {  	s2 =	sld [smem:$0x3F99];
	s0 =	simm.s32 @p1 $0x1  }
0x15: {  	[smem:$0x3FB6] =	sst s0;
	s0 =	simm.s32 @!p2 $0x0  }
0x16: {  	s3 =	sld [smem:$0x3FDB];
	s0 =	simm.s32 @p2 $0x1  }
0x17: {  	s4 =	simm.s32 $0x1BF5;
	[smem:$0x3FB8] =	sst s0  }
0x18: {  	s0 =	sld [smem:$0x3F9B];
	_ =	swait.ge [sflag:s4], $0x0  }
0x19: {  	s7 =	sld [smem:$0x3F9C]  }
0x1a: {  	s8 =	sadd.s32 $0xFFFFE003, lr  }
0x1b: {  	s9 =	sadd.s32 $0xFFFFFEF7, lr;
	s5 =	simm.s32 $0xFFFFFFFF;
	p2 =	slt.u32 s8, $0xFFFFF086  }
0x1c: {  	p1 =	slt.u32 s9, $0xF7A;
	s5 =	simm.s32 @!p2 $0x0  }
0x1d: {  	s5 =	simm.s32 @p1 $0x1;
	p0 =	seq.s32 s7, s2  }
0x1e: {  	s7 =	smul.u32 @!p0 $0xF7A, s2;
	p2 =	seq.s32 @!p0 s5, $0x0  }
0x1f: {  	s9 =	smul.u32 $0xF7A, s1;
	s8 =	simm.s32 @!p0 $0x1BF5;
	p2 =	por !p2, p0  }
0x20: {  	[sflag:s8] =	ssyncset.s32 @!p0 $0xFFFFF086;
	s6 =	sadd.s32 @!p0 s3, s7;
	s7 =	simm.s32 @!p0 $0x108  }
0x21: {  	s3 =	sadd.s32 s3, s9;
	s6 =	sadd.s32 @!p0 $0x88, s6;
	s7 =	simm.s32 @p2 $0x1082  }
0x22: {  	[simem:s7], [sflag:s8] =	dma.local @!p0 [hbm:s6], $0xF7A  }
0x23: {  	s9 =	sor.u32 $0xD0000000, s2;
	s6 =	simm.s32 $0x108;
	_ =	swait.ge @!p0 [sflag:s8], $0x0  }
0x24: {  	s3 =	sadd.s32 $0x88, s3;
	s6 =	simm.s32 @!p1 $0x1082;
	[sflag:s4] =	ssyncset.s32 $0xFFFFF086  }
0x25: {  	[simem:s6], [sflag:s4] =	dma.local [hbm:s3], $0xF7A  }
0x26: {  	[smem:$0x3F9C] =	sst s1;
	(tag) =	ssettag s2;
	_ =	strace s9  }
0x27: {  	s1 =	sld [smem:$0x3FAC]  }
0x28: {  	s2 =	sld [smem:$0x3FAD]  }
0x29: {  	s4 =	sld [smem:$0x3FAF]  }
0x2a: {  	p0 =	seq.s32 s5, $0x0;
	s5 =	sld [smem:$0x3FB0]  }
0x2b: {  	s6 =	sld [smem:$0x3FB1]  }
0x2c: {  	s7 =	sld [smem:$0x3FB2]  }
0x2d: {  	s3 =	simm.s32 $0x108;
	s8 =	sld [smem:$0x3FB3]  }
0x2e: {  	s3 =	simm.s32 @!p0 $0x1082;
	s9 =	sld [smem:$0x3FB4]  }
0x2f: {  	lr =	sadd.s32 s0, s3;
	s0 =	sld [smem:$0x3FAB]  }
0x30: {  	s3 =	sld [smem:$0x3FAE]  }
0x31: {  	[smem:$0x3FB7] =	sst s10  }
0x32: {  	s10 =	sld [smem:$0x3FB5];
	_ =	sdelay $0x3  }
0x33: {  	p0 =	seq.s32 s10, $0x1;
	s10 =	sld [smem:$0x3FB7];
	_ =	sdelay $0x3  }
0x34: {  	[smem:$0x3FB7] =	sst s10  }
0x35: {  	s10 =	sld [smem:$0x3FB6];
	_ =	sdelay $0x3  }
0x36: {  	p1 =	seq.s32 s10, $0x1;
	s10 =	sld [smem:$0x3FB7];
	_ =	sdelay $0x3  }
0x37: {  	[smem:$0x3FB7] =	sst s10  }
0x38: {  	s10 =	sld [smem:$0x3FB8]  }
0x39: {  	_ = 	snop;
	(pc) =	sbr.ind lr, $3  }
0x3a: {  	_ = 	snop  }
0x3b: {  	_ = 	snop  }
0x3c: {  	p2 =	seq.s32 s10, $0x1;
	s10 =	sld [smem:$0x3FB7]  }
0x3d: {  	_ =	shalt  }
0x3e: {  	_ =	shalt  }
0x3f: {  	_ =	shalt  }
0x40: {  	_ =	shalt  }
0x41: {  	_ =	shalt  }
0x42: {  	_ =	shalt  }
0x43: {  	_ =	shalt  }
0x44: {  	_ =	shalt  }
0x45: {  	_ =	shalt  }
0x46: {  	_ =	shalt  }
0x47: {  	_ =	shalt  }
0x48: {  	_ =	shalt  }
0x49: {  	_ =	shalt  }
0x4a: {  	_ =	shalt  }
0x4b: {  	_ =	shalt  }
0x4c: {  	_ =	shalt  }
0x4d: {  	_ =	shalt  }
0x4e: {  	_ =	shalt  }
0x4f: {  	_ =	shalt  }
0x50: {  	_ =	shalt  }
0x51: {  	_ =	shalt  }
0x52: {  	_ =	shalt  }
0x53: {  	_ =	shalt  }
0x54: {  	_ =	shalt  }
0x55: {  	_ =	shalt  }
0x56: {  	_ =	shalt  }
0x57: {  	_ =	shalt  }
0x58: {  	_ =	shalt  }
0x59: {  	_ =	shalt  }
0x5a: {  	_ =	shalt  }
0x5b: {  	_ =	shalt  }
0x5c: {  	_ =	shalt  }
0x5d: {  	_ =	shalt  }
0x5e: {  	_ =	shalt  }
0x5f: {  	_ =	shalt  }
0x60: {  	_ =	shalt  }
0x61: {  	_ =	shalt  }
0x62: {  	_ =	shalt  }
0x63: {  	_ =	shalt  }
0x64: {  	_ =	shalt  }
0x65: {  	_ =	shalt  }
0x66: {  	_ =	shalt  }
0x67: {  	_ =	shalt  }
0x68: {  	_ =	shalt  }
0x69: {  	_ =	shalt  }
0x6a: {  	_ =	shalt  }
0x6b: {  	_ =	shalt  }
0x6c: {  	_ =	shalt  }
0x6d: {  	_ =	shalt  }
0x6e: {  	_ =	shalt  }
0x6f: {  	_ =	shalt  }
0x70: {  	_ =	shalt  }
0x71: {  	_ =	shalt  }
0x72: {  	_ =	shalt  }
0x73: {  	_ =	shalt  }
0x74: {  	_ =	shalt  }
0x75: {  	_ =	shalt  }
0x76: {  	_ =	shalt  }
0x77: {  	_ =	shalt  }
0x78: {  	_ =	shalt  }
0x79: {  	_ =	shalt  }
0x7a: {  	_ =	shalt  }
0x7b: {  	_ =	shalt  }
0x7c: {  	_ =	shalt  }
0x7d: {  	_ =	shalt  }
0x7e: {  	_ =	shalt  }
0x7f: {  	_ =	shalt  }
0x80: {  	_ =	shalt  }
0x81: {  	_ =	shalt  }
0x82: {  	_ =	shalt  }
0x83: {  	_ =	shalt  }
0x84: {  	_ =	shalt  }
0x85: {  	_ =	shalt  }
0x86: {  	_ =	shalt  }
0x87: {  	_ =	shalt  }
.Lfunc_end0:
.L_simem_size_0:
called_computation.1_lowered:
.L_overlay_start_0:
0x88: {  	s2 =	sld [smem:$0x3FD9]  }
0x89: {  	s3 =	sld [smem:$0x3FFE];
	_ =	sdelay $0x1  }
0x8a: {  	s1 =	srdreg.scid  }
0x8b: {  	s0 =	sand.u32 $0x1, s1  }
0x8c: {  	s14 =	sshll.u32 s0, $0xA;
	s2 =	sadd.s32 s3, s2  }
0x8d: {  	s2 =	sadd.s32 s2, s14  }
0x8e: {  	[smem:$0x3FC3] =	sst s2  }
0x8f: {  	_ = 	snop  }
0x90: {  	s2 =	sld [smem:$0x3FD0];
	_ =	sdelay $0x2  }
0x91: {  	s15 =	simm.s32 $0xA;
	s4 =	simm.s32 $0x10  }
0x92: {  	[smem:s4], [sflag:s15] =	dma.local [hbm:s2], $0x1  }
0x93: {  	_ =	swait.eq [sflag:s15], $0x1  }
0x94: {  	[sflag:s15] =	ssyncset.done $0x0  }
0x95: {  	s16 =	sld [smem:$0x11];
	[sflag:s15] =	ssyncadd.s32 $0xFFFFFFFF  }
0x96: {  	s17 =	sld [smem:$0x13];
	(tm) =	ssettm $0x1  }
0x97: {  	s18 =	sld [smem:$0x3FFB];
	_ =	sdelay $0x3  }
0x98: {  	_ =	strace s18  }
0x99: {  	s4 =	sld [smem:$0x3FFC];
	_ =	sdelay $0x3  }
0x9a: {  	_ =	strace s4  }
0x9b: {  	s4 =	sld [smem:$0x3FFD];
	_ =	sdelay $0x3  }
0x9c: {  	_ =	strace s4  }
0x9d: {  	_ =	strace $0x8FFFFFFF  }
0x9e: {  	s19 =	sld [smem:$0x3FDB];
	_ =	sdelay $0x1  }
0x9f: {  	s5 =	simm.s32 $_scs_section_size  }
0xa0: {  	s6 =	simm.s32 $_size__tile_overlayer_lowered;
	s7 =	simm.s32 $_tile_overlayer_lowered  }
0xa1: {  	s22 =	simm.s32 $0x1BFF;
	s21 =	sshll.u32 s7, $0x1;
	s4 =	sadd.s32 s5, s19  }
0xa2: {  	s8 =	simm.s32 $0x0;
	s20 =	sshll.u32 s6, $0x1;
	s6 =	sadd.s32 s21, s4  }
0xa3: {  	[timem:s8], [sflag:s22] =	dma.local [hbm:s6], s20  }
0xa4: {  	_ =	swait.ge [sflag:s22], s20  }
0xa5: {  	s5 =	ssub.s32 $0x0, s20;
	[sflag:s22] =	ssyncset.done $0x0  }
0xa6: {  	[sflag:s22] =	ssyncadd.s32 s5;
	_ =	sdelay $0x1  }
0xa7: {  	s23 =	simm.s32 $0x1B8B  }
0xa8: {  	_ =	swait.ge [sflag:s23], $0x1  }
0xa9: {  	[sflag:s23] =	ssyncset.done $0x0  }
0xaa: {  	s25 =	simm.s32 $0x1B8E;
	s24 =	sld [smem:$0x3FFE];
	[sflag:s23] =	ssyncadd.s32 $0xFFFFFFFF  }
0xab: {  	s26 =	simm.s32 $execute0_lowered;
	[smem:$0x3FD2] =	sst s25  }
0xac: {  	s6 =	sshll.u32 s26, $0x1;
	_ =	strace $0x80000049;
	[dreg:$0x1] =	wrdreg $0xFFFFFFFF  }
0xad: {  	s28 =	simm.s32 $_size_execute0_lowered;
	s4 =	sadd.s32 s4, s6;
	[dreg:$0x0] =	wrdreg $0x0  }
0xae: {  	s6 =	sshll.u32 s28, $0x1;
	[dreg:$0x2] =	wrdreg s4  }
0xaf: {  	[dreg:$0x3] =	wrdreg s6  }
0xb0: {  	[dreg:$0x4] =	wrdreg $0xC0  }
0xb1: {  	_ =	task [dreg:s8], $0x5FFFF  }
0xb2: {  	[dreg:$0x1] =	wrdreg $0xFFFFFFFF  }
0xb3: {  	[dreg:$0x0] =	wrdreg $0x60  }
0xb4: {  	[dreg:$0x2] =	wrdreg s16  }
0xb5: {  	[dreg:$0x3] =	wrdreg s17  }
0xb6: {  	[dreg:$0x4] =	wrdreg s24  }
0xb7: {  	[dreg:$0x5] =	wrdreg $0x9  }
0xb8: {  	_ =	task.clear_ibuf [dreg:s8], $0x6FFFF;
	_ =	strace $0x90000049  }
0xb9: {  	s29 =	simm.s32 $0x9;
	_ =	strace $0x8000004B  }
0xba: {  	_ =	swait.ge [sflag:s29], $0x1  }
0xbb: {  	[sflag:s29] =	ssyncadd.s32 $0xFFFFFFFF  }
0xbc: {  	_ =	strace $0x9000004B  }
0xbd: {  	_ =	sfence  }
0xbe: {  	s30 =	sld [smem:$0x0];
	_ =	sdelay $0x2  }
0xbf: {  	s31 =	sshll.u32 s1, $0xD;
	s1 =	sshrl.u32 s1, $0x2  }
0xc0: {  	s3 =	sand.u32 $0x4000, s31;
	s1 =	sadd.s32 s1, s30  }
0xc1: {  	s0 =	sor.u32 s3, s0;
	s1 =	sshll.u32 s1, $0x11  }
0xc2: {  	s0 =	sor.u32 s1, s0  }
0xc3: {  	s0 =	sadd.s32 $0x8F2B, s0  }
0xc4: {  	[sflag:s0] =	ssyncadd.remote.s32 $0x1  }
0xc5: {  	_ =	sfence.sel $0xFFFF  }
0xc6: {  	[dreg:$0x0] =	wrdreg $0xFFFFFFFF;
	(pc) =	sbr.abs _section_cstart, $3  }
0xc7: {  	[dreg:$0x1] =	wrdreg $0xFFFFFFFF  }
0xc8: {  	_ =	task.clear_ibuf [dreg:s8], $0x2FFFF;
	_ =	strace $0x9FFFFFFF  }
0xc9: {  	(tm) =	ssettm $0x7FFFFFFF  }
tec
execute0_lowered:
.L_overlay_start_1:
0x0: {  	(tag) =	ssettag $0x1  }
0x1: {  	s1 =	rddreg [dreg:$0x0];
	s2 =	srdreg.scid  }
0x2: {  	s9 =	rddreg [dreg:$0x1];
	s0 =	stileid.u32;
	s10 =	sand.u32 $0x1, s2  }
0x3: {  	s8 =	rddreg [dreg:$0x2];
	s4 =	sshll.u32 s0, $0xE;
	s5 =	sshll.u32 s10, $0xD  }
0x4: {  	s3 =	simm.s32 $0x0;
	s2 =	rddreg [dreg:$0x3];
	s11 =	sor.u32 s5, s4  }
0x5: {  	[smem:$0x7FF] =	sst s3;
	s4 =	sshrl.u32 s11, $0x3  }
0x6: {  	_ =	strace $0x8000004A;
	s5 =	sadd.s32 s9, s4;
	s4 =	simm.s32 $0x2  }
0x7: {  	[tilespmem:s3], [sflag:$0x2] =	stream.linear.gather [hbm4b:s5+s3], $0x1000, $0x38;
	[tilespmem:$0x11000] =	vst v63  }
0x8: {  	_ =	swait.ge [sflag:s4], $0x1000  }
0x9: {  	[sflag:s4] =	ssyncset.done $0x0  }
0xa: {  	s6 =	simm.s32 $0x1000;
	s7 =	simm.s32 $0x1;
	[sflag:s4] =	ssyncadd.s32 $0xFFFFF000  }
0xb: {  	[tilespmem:s6], [sflag:$0x1] =	stream.indirect.gather [hbm4b:s1+s6], $0x10, s3, s6, $0xb8;
	[tilespmem:$0x11000] =	vst v63  }
0xc: {  	_ =	swait.ge [sflag:s7], $0x10000  }
0xd: {  	s12 =	sadd.s32 $0x2000, s8;
	s28 =	sshll.u32 s11, $0x1;
	[sflag:s7] =	ssyncset.done $0x0  }
0xe: {  	s8 =	sadd.s32 s12, s28;
	[sflag:s7] =	ssyncadd.s32 $0xFFFF0000  }
0xf: {  	[hbm4b:s8+s3] =	stream.linear.scatter [tilespmem:s6], [sflag:$0x2], $0x10000, $0x38;
	[tilespmem:$0x11000] =	vst v63  }
0x10: {  	s11 =	sor.u32 $0x1000, s11;
	_ =	swait.ge [sflag:s4], $0x10000  }
0x11: {  	s13 =	sshrl.u32 s11, $0x3;
	[sflag:s4] =	ssyncset.done $0x0  }
0x12: {  	s10 =	ssub.s32 $0x2, s10;
	s9 =	sadd.s32 s9, s13;
	[sflag:s4] =	ssyncadd.s32 $0xFFFF0000  }
0x13: {  	[tilespmem:s3], [sflag:$0x2] =	stream.linear.gather [hbm4b:s9+s3], $0x1000, $0x38;
	[tilespmem:$0x11000] =	vst v63  }
0x14: {  	s29 =	sshrl.u32 s10, $0x1;
	_ =	swait.ge [sflag:s4], $0x1000  }
0x15: {  	s13 =	ssub.s32 s10, s29;
	[sflag:s4] =	ssyncset.done $0x0  }
0x16: {  	s31 =	smax.u32 s13, $0x1;
	[sflag:s4] =	ssyncadd.s32 $0xFFFFF000  }
0x17: {  	[tilespmem:s6], [sflag:$0x1] =	stream.indirect.gather [hbm4b:s1+s6], $0x10, s3, s6, $0xb8;
	[tilespmem:$0x11000] =	vst v63  }
0x18: {  	p0 =	sne.s32 s31, $0x1;
	_ =	swait.ge [sflag:s7], $0x10000  }
.Ltmp0:
0x19: {  	s30 =	sshll.u32 s11, $0x1;
	[sflag:s7] =	ssyncset.done $0x0;
	(pc) =	sbr.rel @!p0 .LBB2_2-.Ltmp0, $4  }
0x1a: {  	s10 =	sadd.s32 s12, s30;
	[sflag:s7] =	ssyncadd.s32 $0xFFFF0000  }
0x1b: {  	[hbm4b:s10+s3] =	stream.linear.scatter [tilespmem:s6], [sflag:$0x2], $0x10000, $0x38;
	[tilespmem:$0x11000] =	vst v63  }
0x1c: {  	_ =	swait.ge [sflag:s4], $0x10000  }
0x1d: {  	s11 =	sadd.s32 $0xFFFFFFFF, s31;
	[sflag:s4] =	ssyncset.done $0x0  }
.LBB2_1:
0x1e: {  	p0 =	sne.s32 s11, $0x1;
	s11 =	sadd.s32 $0xFFFFFFFF, s11;
	[sflag:s4] =	ssyncadd.s32 $0xFFFF0000  }
0x1f: {  	[tilespmem:s3], [sflag:$0x2] =	stream.linear.gather [hbm4b:s5+s3], $0x1000, $0x38;
	[tilespmem:$0x11000] =	vst v63  }
0x20: {  	_ =	swait.ge [sflag:s4], $0x1000  }
0x21: {  	[sflag:s4] =	ssyncset.done $0x0  }
0x22: {  	[sflag:s4] =	ssyncadd.s32 $0xFFFFF000  }
0x23: {  	[tilespmem:s6], [sflag:$0x1] =	stream.indirect.gather [hbm4b:s1+s6], $0x10, s3, s6, $0xb8;
	[tilespmem:$0x11000] =	vst v63  }
0x24: {  	_ =	swait.ge [sflag:s7], $0x10000  }
0x25: {  	[sflag:s7] =	ssyncset.done $0x0  }
0x26: {  	[sflag:s7] =	ssyncadd.s32 $0xFFFF0000  }
0x27: {  	[hbm4b:s8+s3] =	stream.linear.scatter [tilespmem:s6], [sflag:$0x2], $0x10000, $0x38;
	[tilespmem:$0x11000] =	vst v63  }
0x28: {  	_ =	swait.ge [sflag:s4], $0x10000  }
0x29: {  	[sflag:s4] =	ssyncset.done $0x0  }
0x2a: {  	[sflag:s4] =	ssyncadd.s32 $0xFFFF0000  }
0x2b: {  	[tilespmem:s3], [sflag:$0x2] =	stream.linear.gather [hbm4b:s9+s3], $0x1000, $0x38;
	[tilespmem:$0x11000] =	vst v63  }
0x2c: {  	_ =	swait.ge [sflag:s4], $0x1000  }
0x2d: {  	[sflag:s4] =	ssyncset.done $0x0  }
0x2e: {  	[sflag:s4] =	ssyncadd.s32 $0xFFFFF000  }
0x2f: {  	[tilespmem:s6], [sflag:$0x1] =	stream.indirect.gather [hbm4b:s1+s6], $0x10, s3, s6, $0xb8;
	[tilespmem:$0x11000] =	vst v63  }
0x30: {  	_ =	swait.ge [sflag:s7], $0x10000  }
.Ltmp1:
0x31: {  	[sflag:s7] =	ssyncset.done $0x0;
	(pc) =	sbr.rel @p0 .LBB2_1-.Ltmp1, $4  }
0x32: {  	[sflag:s7] =	ssyncadd.s32 $0xFFFF0000  }
0x33: {  	[hbm4b:s10+s3] =	stream.linear.scatter [tilespmem:s6], [sflag:$0x2], $0x10000, $0x38;
	[tilespmem:$0x11000] =	vst v63  }
0x34: {  	_ =	swait.ge [sflag:s4], $0x10000  }
0x35: {  	[sflag:s4] =	ssyncset.done $0x0  }
.LBB2_2:
0x36: {  	[sflag:s4] =	ssyncadd.s32 $0xFFFF0000  }
0x37: {  	_ =	sfence.sel $0x180000  }
0x38: {  	[bflag:$0x0] =	sbarrier.arrive $0xFFFF  }
0x39: {  	p0 =	sne.s32 s0, $0x0;
	_ =	strace $0x9000004A  }
0x3a: {  	s0 =	sadd.s32 @!p0 $0x100000, s2;
	[bflag:$0x2] =	sbarrier.arrive $0xFFFF  }
0x3b: {  	[sflag:s0] =	ssyncadd.tile.s32 @!p0 $0x1;
	_ =	shalt  }
.Lfunc_end2:
_tile_overlayer_lowered:
.L_overlay_start_2:
0x3c: {  	(tag) =	ssettag $0x2  }
0x3d: {  	s0 =	rddreg [dreg:$0x0];
	s2 =	stileid.u32  }
0x3e: {  	s1 =	rddreg [dreg:$0x1];
	p0 =	sne.s32 s2, $0x0  }
0x3f: {  	s3 =	rddreg [dreg:$0x2];
	[bflag:$0x3] =	sbarrier.arrive $0xFFFF;
	s2 =	simm.s32 @!p0 $0x1C02  }
0x40: {  	[timem:s3], [sflag:s2] =	dma.local @!p0 [hbm:s0], s1  }
0x41: {  	s0 =	simm.s32 @!p0 $0x2  }
0x42: {  	_ =	swait.ge @!p0 [sflag:s0], s1  }
0x43: {  	s1 =	ssub.s32 @!p0 $0x0, s1;
	[sflag:s0] =	ssyncset.done @!p0 $0x0  }
0x44: {  	[sflag:s0] =	ssyncadd.s32 @!p0 s1  }
0x45: {  	[bflag:$0x3] =	sbarrier.arrive $0xFFFF  }
0x46: {  	_ =	shalt  }

// kernel: kernel.9.cloned.1.call-start
scs
__scs_entry_jumppad:
0x0: {  	(pc) =	sbr.rel $0x88, $3  }
0x1: {  	(tag) =	ssettag $0x0;
	lr =	simm.s32 $0x1  }
0x2: {  	[smem:$0x3F9C] =	sst lr;
	_ =	strace $0xD0000000  }
0x3: {  	_ = 	snop  }
0x4: {  	_ = 	snop  }
0x5: {  	_ = 	snop  }
0x6: {  	_ = 	snop  }
0x7: {  	_ = 	snop  }
__scs_overlays_trampoline_lowered:
0x8: {  	[smem:$0x3FAB] =	sst s0  }
0x9: {  	[smem:$0x3FAC] =	sst s1  }
0xa: {  	[smem:$0x3FAD] =	sst s2  }
0xb: {  	[smem:$0x3FAE] =	sst s3  }
0xc: {  	[smem:$0x3FAF] =	sst s4  }
0xd: {  	[smem:$0x3FB0] =	sst s5  }
0xe: {  	[smem:$0x3FB1] =	sst s6  }
0xf: {  	[smem:$0x3FB2] =	sst s7  }
0x10: {  	[smem:$0x3FB3] =	sst s8  }
0x11: {  	[smem:$0x3FB4] =	sst s9;
	s0 =	simm.s32 @!p0 $0x0  }
0x12: {  	s1 =	sld [smem:$0x3F9A];
	s0 =	simm.s32 @p0 $0x1  }
0x13: {  	[smem:$0x3FB5] =	sst s0;
	s0 =	simm.s32 @!p1 $0x0  }
0x14: {  	s2 =	sld [smem:$0x3F99];
	s0 =	simm.s32 @p1 $0x1  }
0x15: {  	[smem:$0x3FB6] =	sst s0;
	s0 =	simm.s32 @!p2 $0x0  }
0x16: {  	s3 =	sld [smem:$0x3FDB];
	s0 =	simm.s32 @p2 $0x1  }
0x17: {  	s4 =	simm.s32 $0x1BF5;
	[smem:$0x3FB8] =	sst s0  }
0x18: {  	s0 =	sld [smem:$0x3F9B];
	_ =	swait.ge [sflag:s4], $0x0  }
0x19: {  	s7 =	sld [smem:$0x3F9C]  }
0x1a: {  	s8 =	sadd.s32 $0xFFFFE003, lr  }
0x1b: {  	s9 =	sadd.s32 $0xFFFFFEF7, lr;
	s5 =	simm.s32 $0xFFFFFFFF;
	p2 =	slt.u32 s8, $0xFFFFF086  }
0x1c: {  	p1 =	slt.u32 s9, $0xF7A;
	s5 =	simm.s32 @!p2 $0x0  }
0x1d: {  	s5 =	simm.s32 @p1 $0x1;
	p0 =	seq.s32 s7, s2  }
0x1e: {  	s7 =	smul.u32 @!p0 $0xF7A, s2;
	p2 =	seq.s32 @!p0 s5, $0x0  }
0x1f: {  	s9 =	smul.u32 $0xF7A, s1;
	s8 =	simm.s32 @!p0 $0x1BF5;
	p2 =	por !p2, p0  }
0x20: {  	[sflag:s8] =	ssyncset.s32 @!p0 $0xFFFFF086;
	s6 =	sadd.s32 @!p0 s3, s7;
	s7 =	simm.s32 @!p0 $0x108  }
0x21: {  	s3 =	sadd.s32 s3, s9;
	s6 =	sadd.s32 @!p0 $0x88, s6;
	s7 =	simm.s32 @p2 $0x1082  }
0x22: {  	[simem:s7], [sflag:s8] =	dma.local @!p0 [hbm:s6], $0xF7A  }
0x23: {  	s9 =	sor.u32 $0xD0000000, s2;
	s6 =	simm.s32 $0x108;
	_ =	swait.ge @!p0 [sflag:s8], $0x0  }
0x24: {  	s3 =	sadd.s32 $0x88, s3;
	s6 =	simm.s32 @!p1 $0x1082;
	[sflag:s4] =	ssyncset.s32 $0xFFFFF086  }
0x25: {  	[simem:s6], [sflag:s4] =	dma.local [hbm:s3], $0xF7A  }
0x26: {  	[smem:$0x3F9C] =	sst s1;
	(tag) =	ssettag s2;
	_ =	strace s9  }
0x27: {  	s1 =	sld [smem:$0x3FAC]  }
0x28: {  	s2 =	sld [smem:$0x3FAD]  }
0x29: {  	s4 =	sld [smem:$0x3FAF]  }
0x2a: {  	p0 =	seq.s32 s5, $0x0;
	s5 =	sld [smem:$0x3FB0]  }
0x2b: {  	s6 =	sld [smem:$0x3FB1]  }
0x2c: {  	s7 =	sld [smem:$0x3FB2]  }
0x2d: {  	s3 =	simm.s32 $0x108;
	s8 =	sld [smem:$0x3FB3]  }
0x2e: {  	s3 =	simm.s32 @!p0 $0x1082;
	s9 =	sld [smem:$0x3FB4]  }
0x2f: {  	lr =	sadd.s32 s0, s3;
	s0 =	sld [smem:$0x3FAB]  }
0x30: {  	s3 =	sld [smem:$0x3FAE]  }
0x31: {  	[smem:$0x3FB7] =	sst s10  }
0x32: {  	s10 =	sld [smem:$0x3FB5];
	_ =	sdelay $0x3  }
0x33: {  	p0 =	seq.s32 s10, $0x1;
	s10 =	sld [smem:$0x3FB7];
	_ =	sdelay $0x3  }
0x34: {  	[smem:$0x3FB7] =	sst s10  }
0x35: {  	s10 =	sld [smem:$0x3FB6];
	_ =	sdelay $0x3  }
0x36: {  	p1 =	seq.s32 s10, $0x1;
	s10 =	sld [smem:$0x3FB7];
	_ =	sdelay $0x3  }
0x37: {  	[smem:$0x3FB7] =	sst s10  }
0x38: {  	s10 =	sld [smem:$0x3FB8]  }
0x39: {  	_ = 	snop;
	(pc) =	sbr.ind lr, $3  }
0x3a: {  	_ = 	snop  }
0x3b: {  	_ = 	snop  }
0x3c: {  	p2 =	seq.s32 s10, $0x1;
	s10 =	sld [smem:$0x3FB7]  }
0x3d: {  	_ =	shalt  }
0x3e: {  	_ =	shalt  }
0x3f: {  	_ =	shalt  }
0x40: {  	_ =	shalt  }
0x41: {  	_ =	shalt  }
0x42: {  	_ =	shalt  }
0x43: {  	_ =	shalt  }
0x44: {  	_ =	shalt  }
0x45: {  	_ =	shalt  }
0x46: {  	_ =	shalt  }
0x47: {  	_ =	shalt  }
0x48: {  	_ =	shalt  }
0x49: {  	_ =	shalt  }
0x4a: {  	_ =	shalt  }
0x4b: {  	_ =	shalt  }
0x4c: {  	_ =	shalt  }
0x4d: {  	_ =	shalt  }
0x4e: {  	_ =	shalt  }
0x4f: {  	_ =	shalt  }
0x50: {  	_ =	shalt  }
0x51: {  	_ =	shalt  }
0x52: {  	_ =	shalt  }
0x53: {  	_ =	shalt  }
0x54: {  	_ =	shalt  }
0x55: {  	_ =	shalt  }
0x56: {  	_ =	shalt  }
0x57: {  	_ =	shalt  }
0x58: {  	_ =	shalt  }
0x59: {  	_ =	shalt  }
0x5a: {  	_ =	shalt  }
0x5b: {  	_ =	shalt  }
0x5c: {  	_ =	shalt  }
0x5d: {  	_ =	shalt  }
0x5e: {  	_ =	shalt  }
0x5f: {  	_ =	shalt  }
0x60: {  	_ =	shalt  }
0x61: {  	_ =	shalt  }
0x62: {  	_ =	shalt  }
0x63: {  	_ =	shalt  }
0x64: {  	_ =	shalt  }
0x65: {  	_ =	shalt  }
0x66: {  	_ =	shalt  }
0x67: {  	_ =	shalt  }
0x68: {  	_ =	shalt  }
0x69: {  	_ =	shalt  }
0x6a: {  	_ =	shalt  }
0x6b: {  	_ =	shalt  }
0x6c: {  	_ =	shalt  }
0x6d: {  	_ =	shalt  }
0x6e: {  	_ =	shalt  }
0x6f: {  	_ =	shalt  }
0x70: {  	_ =	shalt  }
0x71: {  	_ =	shalt  }
0x72: {  	_ =	shalt  }
0x73: {  	_ =	shalt  }
0x74: {  	_ =	shalt  }
0x75: {  	_ =	shalt  }
0x76: {  	_ =	shalt  }
0x77: {  	_ =	shalt  }
0x78: {  	_ =	shalt  }
0x79: {  	_ =	shalt  }
0x7a: {  	_ =	shalt  }
0x7b: {  	_ =	shalt  }
0x7c: {  	_ =	shalt  }
0x7d: {  	_ =	shalt  }
0x7e: {  	_ =	shalt  }
0x7f: {  	_ =	shalt  }
0x80: {  	_ =	shalt  }
0x81: {  	_ =	shalt  }
0x82: {  	_ =	shalt  }
0x83: {  	_ =	shalt  }
0x84: {  	_ =	shalt  }
0x85: {  	_ =	shalt  }
0x86: {  	_ =	shalt  }
0x87: {  	_ =	shalt  }
.Lfunc_end0:
.L_simem_size_0:
called_computation_lowered:
.L_overlay_start_0:
0x88: {  	s2 =	sld [smem:$0x3FD9]  }
0x89: {  	s3 =	sld [smem:$0x3FFE];
	_ =	sdelay $0x1  }
0x8a: {  	s1 =	srdreg.scid  }
0x8b: {  	s0 =	sand.u32 $0x1, s1  }
0x8c: {  	s14 =	sshll.u32 s0, $0xA;
	s2 =	sadd.s32 s3, s2  }
0x8d: {  	s2 =	sadd.s32 s2, s14  }
0x8e: {  	[smem:$0x3FC3] =	sst s2  }
0x8f: {  	_ = 	snop  }
0x90: {  	s2 =	sld [smem:$0x3FD0];
	_ =	sdelay $0x2  }
0x91: {  	s15 =	simm.s32 $0xA;
	s4 =	simm.s32 $0x10  }
0x92: {  	[smem:s4], [sflag:s15] =	dma.local [hbm:s2], $0x1  }
0x93: {  	_ =	swait.eq [sflag:s15], $0x1  }
0x94: {  	[sflag:s15] =	ssyncset.done $0x0  }
0x95: {  	s16 =	sld [smem:$0x10];
	[sflag:s15] =	ssyncadd.s32 $0xFFFFFFFF  }
0x96: {  	s17 =	sld [smem:$0x14];
	(tm) =	ssettm $0x1  }
0x97: {  	s18 =	sld [smem:$0x3FFB];
	_ =	sdelay $0x3  }
0x98: {  	_ =	strace s18  }
0x99: {  	s4 =	sld [smem:$0x3FFC];
	_ =	sdelay $0x3  }
0x9a: {  	_ =	strace s4  }
0x9b: {  	s4 =	sld [smem:$0x3FFD];
	_ =	sdelay $0x3  }
0x9c: {  	_ =	strace s4  }
0x9d: {  	_ =	strace $0x8FFFFFFF  }
0x9e: {  	s19 =	sld [smem:$0x3FDB];
	_ =	sdelay $0x1  }
0x9f: {  	s5 =	simm.s32 $_scs_section_size  }
0xa0: {  	s6 =	simm.s32 $_size__tile_overlayer_lowered;
	s7 =	simm.s32 $_tile_overlayer_lowered  }
0xa1: {  	s22 =	simm.s32 $0x1BFF;
	s21 =	sshll.u32 s7, $0x1;
	s4 =	sadd.s32 s5, s19  }
0xa2: {  	s8 =	simm.s32 $0x0;
	s20 =	sshll.u32 s6, $0x1;
	s6 =	sadd.s32 s21, s4  }
0xa3: {  	[timem:s8], [sflag:s22] =	dma.local [hbm:s6], s20  }
0xa4: {  	_ =	swait.ge [sflag:s22], s20  }
0xa5: {  	s5 =	ssub.s32 $0x0, s20;
	[sflag:s22] =	ssyncset.done $0x0  }
0xa6: {  	[sflag:s22] =	ssyncadd.s32 s5;
	_ =	sdelay $0x1  }
0xa7: {  	s23 =	simm.s32 $0x1B8B  }
0xa8: {  	_ =	swait.ge [sflag:s23], $0x1  }
0xa9: {  	[sflag:s23] =	ssyncset.done $0x0  }
0xaa: {  	s25 =	simm.s32 $0x1B8E;
	s24 =	sld [smem:$0x3FFE];
	[sflag:s23] =	ssyncadd.s32 $0xFFFFFFFF  }
0xab: {  	s26 =	simm.s32 $execute0_lowered;
	[smem:$0x3FD2] =	sst s25  }
0xac: {  	s6 =	sshll.u32 s26, $0x1;
	_ =	strace $0x80000046;
	[dreg:$0x1] =	wrdreg $0xFFFFFFFF  }
0xad: {  	s28 =	simm.s32 $_size_execute0_lowered;
	s4 =	sadd.s32 s4, s6;
	[dreg:$0x0] =	wrdreg $0x0  }
0xae: {  	s6 =	sshll.u32 s28, $0x1;
	[dreg:$0x2] =	wrdreg s4  }
0xaf: {  	[dreg:$0x3] =	wrdreg s6  }
0xb0: {  	[dreg:$0x4] =	wrdreg $0xC0  }
0xb1: {  	_ =	task [dreg:s8], $0x5FFFF  }
0xb2: {  	[dreg:$0x1] =	wrdreg $0xFFFFFFFF  }
0xb3: {  	[dreg:$0x0] =	wrdreg $0x60  }
0xb4: {  	[dreg:$0x2] =	wrdreg s17  }
0xb5: {  	[dreg:$0x3] =	wrdreg s24  }
0xb6: {  	[dreg:$0x4] =	wrdreg s16  }
0xb7: {  	[dreg:$0x5] =	wrdreg $0x80800  }
0xb8: {  	[dreg:$0x6] =	wrdreg $0x9  }
0xb9: {  	_ =	task.clear_ibuf [dreg:s8], $0x7FFFF;
	_ =	strace $0x90000046  }
0xba: {  	s29 =	simm.s32 $0x9;
	_ =	strace $0x80000048  }
0xbb: {  	_ =	swait.ge [sflag:s29], $0x1  }
0xbc: {  	[sflag:s29] =	ssyncadd.s32 $0xFFFFFFFF  }
0xbd: {  	_ =	strace $0x90000048  }
0xbe: {  	_ =	sfence  }
0xbf: {  	s30 =	sld [smem:$0x0];
	_ =	sdelay $0x2  }
0xc0: {  	s31 =	sshll.u32 s1, $0xD;
	s1 =	sshrl.u32 s1, $0x2  }
0xc1: {  	s3 =	sand.u32 $0x4000, s31;
	s1 =	sadd.s32 s1, s30  }
0xc2: {  	s0 =	sor.u32 s3, s0;
	s1 =	sshll.u32 s1, $0x11  }
0xc3: {  	s0 =	sor.u32 s1, s0  }
0xc4: {  	s0 =	sadd.s32 $0x8F2B, s0  }
0xc5: {  	[sflag:s0] =	ssyncadd.remote.s32 $0x1  }
0xc6: {  	_ =	sfence.sel $0xFFFF  }
0xc7: {  	[dreg:$0x0] =	wrdreg $0xFFFFFFFF;
	(pc) =	sbr.abs _section_cstart, $3  }
0xc8: {  	[dreg:$0x1] =	wrdreg $0xFFFFFFFF  }
0xc9: {  	_ =	task.clear_ibuf [dreg:s8], $0x2FFFF;
	_ =	strace $0x9FFFFFFF  }
0xca: {  	(tm) =	ssettm $0x7FFFFFFF  }
0xcb: {  	_ =	shalt  }
tec
execute0_lowered:
.L_overlay_start_1:
0x0: {  	(tag) =	ssettag $0x1  }
0x1: {  	s9 =	rddreg [dreg:$0x0]  }
0x2: {  	s11 =	rddreg [dreg:$0x1];
	s0 =	stileid.u32  }
0x3: {  	s2 =	rddreg [dreg:$0x2];
	s8 =	smul.u32 $0x4010, s0  }
0x4: {  	s3 =	rddreg [dreg:$0x3]  }
0x5: {  	s1 =	rddreg [dreg:$0x4];
	s4 =	simm.s32 $0x0;
	s5 =	sshrl.u32 s8, $0x3  }
0x6: {  	s7 =	simm.s32 $0x4000;
	[smem:$0x7FF] =	sst s4;
	s5 =	sadd.s32 s5, s11  }
0x7: {  	s6 =	simm.s32 $0x1;
	_ =	strace $0x80000047;
	s5 =	sadd.s32 $0x2000, s5  }
0x8: {  	[tilespmem:s7], [sflag:$0x1] =	stream.linear.gather [hbm4b:s5+s4], $0x4010, $0x38;
	[tilespmem:$0xC090] =	vst v63  }
0x9: {  	_ =	swait.ge [sflag:s6], $0x4010  }
0xa: {  	[sflag:s6] =	ssyncset.done $0x0  }
0xb: {  	s10 =	srdreg.scid;
	s8 =	sadd.s32 s8, s3;
	[sflag:s6] =	ssyncadd.s32 $0xFFFFBFF0  }
0xc: {  	[spmem:s8] =	stream.linear.scatter [tilespmem:s7], [sflag:$0x1], $0x4010, $0x38;
	[tilespmem:$0xC090] =	vst v63  }
0xd: {  	s12 =	sand.u32 $0x1, s10;
	_ =	swait.ge [sflag:s6], $0x4010  }
0xe: {  	s10 =	sshll.u32 s12, $0xA;
	[sflag:s6] =	ssyncset.done $0x0  }
0xf: {  	s13 =	sshll.u32 s0, $0xB;
	s9 =	sadd.s32 s9, s10;
	[sflag:s6] =	ssyncadd.s32 $0xFFFFBFF0  }
0x10: {  	s9 =	sadd.s32 s13, s9;
	[bflag:$0x0] =	sbarrier.arrive $0xFFFF  }
0x11: {  	[tilespmem:s4], [sflag:$0x1] =	stream.linear.gather [hbm4b:s9+s4], $0x2000, $0x38;
	[tilespmem:$0xC090] =	vst v63  }
0x12: {  	_ =	swait.ge [sflag:s6], $0x2000  }
0x13: {  	[sflag:s6] =	ssyncset.done $0x0  }
0x14: {  	s10 =	simm.s32 $0x2000;
	[sflag:s6] =	ssyncadd.s32 $0xFFFFE000  }
0x15: {  	[tilespmem:s10], [sflag:$0x1] =	stream.linear.gather [hbm4b:s2+s4], $0x2000, $0x38;
	[tilespmem:$0xC090] =	vst v63  }
0x16: {  	_ =	swait.ge [sflag:s6], $0x2000  }
0x17: {  	[sflag:s6] =	ssyncset.done $0x0  }
0x18: {  	s29 =	sshll.u32 s0, $0xE;
	[sflag:s6] =	ssyncadd.s32 $0xFFFFE000  }
0x19: {  	[spmem:s3] =	stream.indirect.scatter.add.s32 [tilespmem:s10], [sflag:$0x1], $0x1, s4, s10, $0xb8;
	[tilespmem:$0xC090] =	vst v63  }
0x1a: {  	s28 =	sshll.u32 s12, $0x4;
	s12 =	ssub.s32 $0x2, s12;
	_ =	swait.ge [sflag:s6], $0x2000  }
0x1b: {  	s15 =	sshll.u32 s0, $0xC;
	s14 =	sshrl.u32 s12, $0x1;
	[sflag:s6] =	ssyncset.done $0x0  }
0x1c: {  	s13 =	sadd.s32 s28, s11;
	s14 =	ssub.s32 s12, s14;
	[sflag:s6] =	ssyncadd.s32 $0xFFFFE000  }
0x1d: {  	s11 =	sadd.s32 s29, s3;
	s31 =	smax.u32 s14, $0x1;
	[bflag:$0x0] =	sbarrier.arrive $0xFFFF  }
0x1e: {  	[tilespmem:s7], [sflag:$0x1] =	stream.linear.gather [spmem:s11], $0x4000, $0x38;
	[tilespmem:$0xC090] =	vst v63  }
0x1f: {  	s30 =	sadd.s32 s15, s13;
	p0 =	sne.s32 s31, $0x1;
	_ =	swait.ge [sflag:s6], $0x4000  }
.Ltmp0:
0x20: {  	s13 =	simm.s32 $0x80;
	[sflag:s6] =	ssyncset.done $0x0;
	(pc) =	sbr.rel @!p0 .LBB2_2-.Ltmp0, $4  }
0x21: {  	s14 =	simm.s32 $0x100;
	s12 =	sadd.s32 $0xA200, s30;
	[sflag:s6] =	ssyncadd.s32 $0xFFFFC000  }
0x22: {  	[hbm4b:s12+s13] =	stream.strided.scatter [tilespmem:s7], [sflag:$0x1], $0x4000, s14, s13, $0x38;
	[tilespmem:$0xC090] =	vst v63  }
0x23: {  	_ =	swait.ge [sflag:s6], $0x4000  }
0x24: {  	s15 =	sadd.s32 $0xFFFFFFFF, s31;
	[sflag:s6] =	ssyncset.done $0x0  }
.LBB2_1:
0x25: {  	p0 =	sne.s32 s15, $0x1;
	s15 =	sadd.s32 $0xFFFFFFFF, s15;
	[sflag:s6] =	ssyncadd.s32 $0xFFFFC000  }
0x26: {  	[tilespmem:s7], [sflag:$0x1] =	stream.linear.gather [hbm4b:s5+s4], $0x4010, $0x38;
	[tilespmem:$0xC090] =	vst v63  }
0x27: {  	_ =	swait.ge [sflag:s6], $0x4010  }
0x28: {  	[sflag:s6] =	ssyncset.done $0x0  }
0x29: {  	[sflag:s6] =	ssyncadd.s32 $0xFFFFBFF0  }
0x2a: {  	[spmem:s8] =	stream.linear.scatter [tilespmem:s7], [sflag:$0x1], $0x4010, $0x38;
	[tilespmem:$0xC090] =	vst v63  }
0x2b: {  	_ =	swait.ge [sflag:s6], $0x4010  }
0x2c: {  	[sflag:s6] =	ssyncset.done $0x0  }
0x2d: {  	[sflag:s6] =	ssyncadd.s32 $0xFFFFBFF0  }
0x2e: {  	[bflag:$0x0] =	sbarrier.arrive $0xFFFF  }
0x2f: {  	[tilespmem:s4], [sflag:$0x1] =	stream.linear.gather [hbm4b:s9+s4], $0x2000, $0x38;
	[tilespmem:$0xC090] =	vst v63  }
0x30: {  	_ =	swait.ge [sflag:s6], $0x2000  }
0x31: {  	[sflag:s6] =	ssyncset.done $0x0  }
0x32: {  	[sflag:s6] =	ssyncadd.s32 $0xFFFFE000  }
0x33: {  	[tilespmem:s10], [sflag:$0x1] =	stream.linear.gather [hbm4b:s2+s4], $0x2000, $0x38;
	[tilespmem:$0xC090] =	vst v63  }
0x34: {  	_ =	swait.ge [sflag:s6], $0x2000  }
0x35: {  	[sflag:s6] =	ssyncset.done $0x0  }
0x36: {  	[sflag:s6] =	ssyncadd.s32 $0xFFFFE000  }
0x37: {  	[spmem:s3] =	stream.indirect.scatter.add.s32 [tilespmem:s10], [sflag:$0x1], $0x1, s4, s10, $0xb8;
	[tilespmem:$0xC090] =	vst v63  }
0x38: {  	_ =	swait.ge [sflag:s6], $0x2000  }
0x39: {  	[sflag:s6] =	ssyncset.done $0x0  }
0x3a: {  	[sflag:s6] =	ssyncadd.s32 $0xFFFFE000  }
0x3b: {  	[bflag:$0x0] =	sbarrier.arrive $0xFFFF  }
0x3c: {  	[tilespmem:s7], [sflag:$0x1] =	stream.linear.gather [spmem:s11], $0x4000, $0x38;
	[tilespmem:$0xC090] =	vst v63  }
0x3d: {  	_ =	swait.ge [sflag:s6], $0x4000  }
.Ltmp1:
0x3e: {  	[sflag:s6] =	ssyncset.done $0x0;
	(pc) =	sbr.rel @p0 .LBB2_1-.Ltmp1, $4  }
0x3f: {  	[sflag:s6] =	ssyncadd.s32 $0xFFFFC000  }
0x40: {  	[hbm4b:s12+s13] =	stream.strided.scatter [tilespmem:s7], [sflag:$0x1], $0x4000, s14, s13, $0x38;
	[tilespmem:$0xC090] =	vst v63  }
0x41: {  	_ =	swait.ge [sflag:s6], $0x4000  }
0x42: {  	[sflag:s6] =	ssyncset.done $0x0  }
.LBB2_2:
0x43: {  	[sflag:s6] =	ssyncadd.s32 $0xFFFFC000  }
0x44: {  	_ =	sfence.sel $0x180000  }
0x45: {  	[bflag:$0x0] =	sbarrier.arrive $0xFFFF  }
0x46: {  	p0 =	sne.s32 s0, $0x0;
	_ =	strace $0x90000047  }
0x47: {  	s0 =	sadd.s32 @!p0 $0x100000, s1;
	[bflag:$0x2] =	sbarrier.arrive $0xFFFF  }
0x48: {  	[sflag:s0] =	ssyncadd.tile.s32 @!p0 $0x1;
	_ =	shalt  }
.Lfunc_end2:
_tile_overlayer_lowered:
.L_overlay_start_2:
0x49: {  	(tag) =	ssettag $0x2  }
0x4a: {  	s0 =	rddreg [dreg:$0x0];
	s2 =	stileid.u32  }
0x4b: {  	s1 =	rddreg [dreg:$0x1];
	p0 =	sne.s32 s2, $0x0  }
0x4c: {  	s3 =	rddreg [dreg:$0x2];
	[bflag:$0x3] =	sbarrier.arrive $0xFFFF;
	s2 =	simm.s32 @!p0 $0x1C01  }
0x4d: {  	[timem:s3], [sflag:s2] =	dma.local @!p0 [hbm:s0], s1  }
0x4e: {  	s0 =	simm.s32 @!p0 $0x1  }
0x4f: {  	_ =	swait.ge @!p0 [sflag:s0], s1  }
0x50: {  	s1 =	ssub.s32 @!p0 $0x0, s1;
	[sflag:s0] =	ssyncset.done @!p0 $0x0  }
0x51: {  	[sflag:s0] =	ssyncadd.s32 @!p0 s1  }
0x52: {  	[bflag:$0x3] =	sbarrier.arrive $0xFFFF  }
0x53: {  	_ =	shalt  }

</sc_bundles>
